<compile_context>
chip_gen: v7x
topology: tpu7x:2x2x1
jax: 0.10.2.dev20260603
libtpu: 0.0.44.dev20260713+nightly
codegen_flags: <defaults>
</compile_context>

<pallas_src>
import functools

import jax
import jax.numpy as jnp
from jax import lax
from jax.experimental import pallas as pl
from jax.experimental.pallas import tpu as pltpu
from jax.experimental.pallas import tpu_sc as plsc

NC = 2
NS = 16
L = 16
NW = NC * NS


def _rup(x, m):
    return -(-x // m) * m


def _sc_loss_kernel(B, N, F):
    TPB = NW // B
    VR = _rup(N, 128)
    FR = _rup(F, 128)
    F_pad = _rup(FR // TPB, 4 * L)
    FQ = TPB * F_pad
    G = F_pad // L
    V = _rup(_rup(N, TPB) // TPB, 128)
    N_pad = V * TPB
    RC = N_pad // 128
    AR = 4 * RC
    PR = 4 * (V // 128)

    mesh = plsc.VectorSubcoreMesh(
        core_axis_name="c", subcore_axis_name="s",
        num_cores=NC, num_subcores=NS)

    @functools.partial(
        pl.kernel,
        out_type=jax.ShapeDtypeStruct((NW * L,), jnp.float32),
        mesh=mesh,
        scratch_types=[
            pltpu.VMEM((3 * VR + 256,), jnp.float32),
            pltpu.VMEM((2 * VR,), jnp.float32),
            pltpu.VMEM((3 * F_pad,), jnp.int32),
            pltpu.VMEM((AR, 128), jnp.float32),
            pltpu.VMEM((PR, 128), jnp.float32),
            pltpu.VMEM((L,), jnp.float32),
            pltpu.VMEM_SHARED((NS // 4 * AR, 128), jnp.float32),
            pltpu.SemaphoreType.DMA,
            pltpu.SemaphoreType.DMA,
            pltpu.SemaphoreType.DMA,
            pltpu.SemaphoreType.DMA,
            pltpu.SemaphoreType.DMA,
        ],
        compiler_params=pltpu.CompilerParams(needs_layout_passes=False),
    )
    def k(v1_hbm, v2_hbm, faceq_hbm, out_hbm,
          db, cb, fb, acc, prt, ob, shared, s1, s2, sa, sb, sp):
        c = lax.axis_index("c")
        s = lax.axis_index("s")
        batch = c * (B // NC) + s // TPB
        q = s % TPB
        wid = c * NS + s
        bslot = s // TPB

        iota = lax.iota(jnp.int32, L)
        zeros = jnp.zeros((L,), jnp.float32)
        two = jnp.full((L,), 2.0, jnp.float32)
        one = jnp.full((L,), 1.0, jnp.float32)

        h_v1 = [pltpu.async_copy(
            v1_hbm.at[pl.ds((kk * B + batch) * VR, VR)],
            db.at[pl.ds(kk * VR, VR)], s1) for kk in range(3)]
        h_fb = [pltpu.async_copy(
            faceq_hbm.at[pl.ds(kk * FQ + q * F_pad, F_pad)],
            fb.at[pl.ds(kk * F_pad, F_pad)], s2) for kk in range(3)]
        h_v2 = [None, None, None]
        h_v2[0] = pltpu.async_copy(
            v2_hbm.at[pl.ds(batch * VR, VR)], cb.at[pl.ds(0, VR)], sa)

        @plsc.parallel_loop(0, AR, 1, unroll=4)
        def _(r):
            for cc in range(8):
                acc[r, pl.ds(cc * L, L)] = zeros

        pltpu.sync_copy(acc.at[pl.ds(0, AR // 4)],
                        shared.at[pl.ds(s * (AR // 4), AR // 4)])

        for kk in range(3):
            if kk < 2:
                h_v2[kk + 1] = pltpu.async_copy(
                    v2_hbm.at[pl.ds(((kk + 1) * B + batch) * VR, VR)],
                    cb.at[pl.ds(((kk + 1) % 2) * VR, VR)],
                    sa if (kk + 1) % 2 == 0 else sb)
            h_v1[kk].wait()
            h_v2[kk].wait()
            base = kk * VR
            cbase = (kk % 2) * VR

            @plsc.parallel_loop(0, VR // (4 * L), 1, unroll=2)
            def _(i, base=base, cbase=cbase):
                for u in range(4):
                    off = i * (4 * L) + u * L
                    db[pl.ds(base + off, L)] = (
                        db[pl.ds(base + off, L)]
                        - cb[pl.ds(cbase + off, L)])

        for h in h_fb:
            h.wait()

        thr = jnp.minimum(F - q * F_pad, F_pad)

        @plsc.parallel_loop(0, G, 1, unroll=2)
        def _(g):
            off = g * L
            fidx = off + iota
            valid = fidx < thr
            va = fb[pl.ds(off, L)]
            vb = fb[pl.ds(F_pad + off, L)]
            vc = fb[pl.ds(2 * F_pad + off, L)]
            ra = va >> 7
            ca = va & 127
            rb = vb >> 7
            cbb = vb & 127
            rc = vc >> 7
            ccc = vc & 127
            for kk in range(3):
                da = plsc.load_gather(db, [va + kk * VR])
                dbv = plsc.load_gather(db, [vb + kk * VR])
                dc = plsc.load_gather(db, [vc + kk * VR])
                sk = da + dbv + dc
                rr = kk * RC
                plsc.addupdate_scatter(acc, [ra + rr, ca], sk - da,
                                       mask=valid)
                plsc.addupdate_scatter(acc, [rb + rr, cbb], sk - dbv,
                                       mask=valid)
                plsc.addupdate_scatter(acc, [rc + rr, ccc], sk - dc,
                                       mask=valid)
            dr = 3 * RC
            plsc.addupdate_scatter(acc, [ra + dr, ca], two, mask=valid)
            plsc.addupdate_scatter(acc, [rb + dr, cbb], two, mask=valid)
            plsc.addupdate_scatter(acc, [rc + dr, ccc], two, mask=valid)

        plsc.subcore_barrier()

        sbase = bslot * AR
        h_pub = []
        for j in range(AR // L):
            rows = sbase + j * L + iota
            h_pub.append(pltpu.async_copy(
                acc.at[pl.ds(j * L, L)], shared.at[rows], sp, add=True))
        for h in h_pub:
            h.wait()
        plsc.subcore_barrier()

        h_rd = []
        for r in range(4):
            src = sbase + r * RC + q * (V // 128)
            h_rd.append(pltpu.async_copy(
                shared.at[pl.ds(src, V // 128)],
                prt.at[pl.ds(r * (V // 128), V // 128)], sp))
        for h in h_rd:
            h.wait()

        vbase = q * V
        nvec = jnp.full((L,), N, jnp.int32)
        VRC = V // 128

        @plsc.parallel_loop(0, V // L, 1, unroll=2, carry=zeros)
        def acc_vec(i, av):
            off = i * L
            row = i >> 3
            col = (i & 7) * L
            deg = prt[3 * VRC + row, pl.ds(col, L)]
            rdeg = one / jnp.maximum(deg, one)
            t = zeros
            for kk in range(3):
                nbr = prt[kk * VRC + row, pl.ds(col, L)]
                dv = db[pl.ds(kk * VR + vbase + off, L)]
                t = t + jnp.abs(nbr * rdeg - dv)
            v = vbase + off + iota
            return av + jnp.where(v < nvec, t, zeros)

        ob[...] = acc_vec
        pltpu.sync_copy(ob, out_hbm.at[pl.ds(wid * L, L)])

    return k


def kernel(vert1, vert2, face):
    B, N, _ = vert1.shape
    F = face.shape[0]
    TPB = NW // B
    VR = _rup(N, 128)
    FQ = TPB * _rup(_rup(F, 128) // TPB, 4 * L)

    v1 = jnp.pad(vert1.transpose(2, 0, 1), ((0, 0), (0, 0), (0, VR - N)))
    v2 = jnp.pad(vert2.transpose(2, 0, 1), ((0, 0), (0, 0), (0, VR - N)))
    fq = jnp.pad(face.astype(jnp.int32).T, ((0, 0), (0, FQ - F)))

    parts = _sc_loss_kernel(B, N, F)(
        v1.reshape(3 * B * VR), v2.reshape(3 * B * VR), fq.reshape(3 * FQ))
    return jnp.sum(parts) * (1.0 / (B * N * 3))

# --- scband reference (transcript-rebuilt; emitter-appended) ---
"""Pipeline reference for scband-mesh-laplacian-loss-1382979470102 (READ-ONLY COPY).

The authoritative reference and input builder live on the scoring server;
editing this copy changes nothing except your own understanding.
"""

import jax, jax.numpy as jnp
import numpy as np


def _uniform_laplacian(verts, face):
    # verts: [B, N, 3], face: [F, 3] (shared topology across batch)
    # Uniform (graph) Laplacian built from triangle connectivity:
    #   lap_i = mean_{j in N(i)} v_j - v_i
    # Edges are emitted per-face in both directions (scatter-add), matching the
    # typical sparse-matrix construction in geo_op.UniformLaplacian.
    N = verts.shape[1]
    e_src = jnp.concatenate([face[:, 0], face[:, 1], face[:, 2],
                             face[:, 1], face[:, 2], face[:, 0]])
    e_dst = jnp.concatenate([face[:, 1], face[:, 2], face[:, 0],
                             face[:, 0], face[:, 1], face[:, 2]])
    deg = jnp.zeros((N,), dtype=verts.dtype).at[e_src].add(1.0)
    nbr_sum = jnp.zeros_like(verts).at[:, e_src].add(verts[:, e_dst])
    deg = jnp.clip(deg, 1.0, None)
    return nbr_sum / deg[None, :, None] - verts


def setup_inputs(seed: int = 0) -> dict:
    key = jax.random.key(seed)
    k1, k2, k3 = jax.random.split(key, 3)
    B, N, F = 8, 10000, 20000
    vert1 = jax.random.normal(k1, (B, N, 3), dtype=jnp.float32)
    vert2 = jax.random.normal(k2, (B, N, 3), dtype=jnp.float32)
    face = jax.random.randint(k3, (F, 3), 0, N, dtype=jnp.int64)
    return {"vert1": vert1, "vert2": vert2, "face": face}


def reference(vert1, vert2, face):
    # MeshLaplacianLoss.forward with use_cot=False, use_norm=False,
    # metric = L1Loss (mean reduction)
    lap1 = _uniform_laplacian(vert1, face)
    lap2 = _uniform_laplacian(vert2, face)
    return jnp.mean(jnp.abs(lap1 - lap2))

if __name__ == "__main__":
    import jax
    _d = setup_inputs()
    print(jax.jit(kernel)(*tuple(_d.values())))

</pallas_src>

<mosaic_0001>
#map = affine_map<(d0, d1) -> (0)>
module attributes {stable_mosaic.version = 14 : i64} {
  func.func @k(%arg0: i32, %arg1: i32, %arg2: memref<242688xf32, #tpu.memory_space<hbm>>, %arg3: memref<242688xf32, #tpu.memory_space<hbm>>, %arg4: memref<60672xi32, #tpu.memory_space<hbm>>, %arg5: memref<512xf32, #tpu.memory_space<hbm>>, %arg6: memref<30592xf32, #tpu.memory_space<vmem>>, %arg7: memref<20224xf32, #tpu.memory_space<vmem>>, %arg8: memref<15168xi32, #tpu.memory_space<vmem>>, %arg9: memref<320x128xf32, #tpu.memory_space<vmem>>, %arg10: memref<80x128xf32, #tpu.memory_space<vmem>>, %arg11: memref<16xf32, #tpu.memory_space<vmem>>, %arg12: memref<1280x128xf32, #tpu.memory_space<vmem_shared>>, %arg13: memref<!tpu.dma_semaphore, #tpu.memory_space<semaphore_mem>>, %arg14: memref<!tpu.dma_semaphore, #tpu.memory_space<semaphore_mem>>, %arg15: memref<!tpu.dma_semaphore, #tpu.memory_space<semaphore_mem>>, %arg16: memref<!tpu.dma_semaphore, #tpu.memory_space<semaphore_mem>>, %arg17: memref<!tpu.dma_semaphore, #tpu.memory_space<semaphore_mem>>) attributes {dimension_semantics = [#tpu.dimension_semantics<core_parallel>, #tpu.dimension_semantics<subcore_parallel>], iteration_bounds = array<i64: 2, 16>, scalar_prefetch = 0 : i64, scratch_operands = 12 : i64, tpu.core_type = #tpu.core_type<sc_vector_subcore>, window_params = [{transform_indices = #map}, {transform_indices = #map}, {transform_indices = #map}, {transform_indices = #map}]} {
    %mul3A = arith.constant 4 : i32
    %mul3A_0 = arith.muli %arg0, %mul3A : i32
    %jit3A = arith.constant 4 : i32
    %div3A = arith.divsi %arg1, %jit3A : i32
    %sign3A = arith.constant 0 : i32
    %sign3A_1 = arith.cmpi sgt, %arg1, %sign3A : i32
    %sign3A_2 = arith.extui %sign3A_1 : i1 to i32
    %sign3A_3 = arith.constant 0 : i32
    %sign3A_4 = arith.cmpi slt, %arg1, %sign3A_3 : i32
    %sign3A_5 = arith.extui %sign3A_4 : i1 to i32
    %sign3A_6 = arith.subi %sign3A_2, %sign3A_5 : i32
    %sign3A_7 = arith.constant 0 : i32
    %sign3A_8 = arith.cmpi sgt, %jit3A, %sign3A_7 : i32
    %sign3A_9 = arith.extui %sign3A_8 : i1 to i32
    %sign3A_10 = arith.constant 0 : i32
    %sign3A_11 = arith.cmpi slt, %jit3A, %sign3A_10 : i32
    %sign3A_12 = arith.extui %sign3A_11 : i1 to i32
    %sign3A_13 = arith.subi %sign3A_9, %sign3A_12 : i32
    %ne3A = arith.cmpi ne, %sign3A_6, %sign3A_13 : i32
    %rem3A = arith.remsi %arg1, %jit3A : i32
    %ne3A_14 = arith.constant 0 : i32
    %ne3A_15 = arith.cmpi ne, %rem3A, %ne3A_14 : i32
    %and3A = arith.andi %ne3A, %ne3A_15 : i1
    %sub3A = arith.constant 1 : i32
    %sub3A_16 = arith.subi %div3A, %sub3A : i32
    %select_n3A = arith.select %and3A, %sub3A_16, %div3A : i32
    %add3A = arith.addi %mul3A_0, %select_n3A : i32
    %jit3A_17 = arith.constant 4 : i32
    %eq3A = arith.constant 0 : i32
    %eq3A_18 = arith.cmpi eq, %jit3A_17, %eq3A : i32
    %jit3A_19 = arith.constant 1 : i32
    %select_n3A_20 = arith.select %eq3A_18, %jit3A_19, %jit3A_17 : i32
    %rem3A_21 = arith.remsi %arg1, %select_n3A_20 : i32
    %ne3A_22 = arith.constant 0 : i32
    %ne3A_23 = arith.cmpi ne, %rem3A_21, %ne3A_22 : i32
    %lt3A = arith.constant 0 : i32
    %lt3A_24 = arith.cmpi slt, %rem3A_21, %lt3A : i32
    %lt3A_25 = arith.constant 0 : i32
    %lt3A_26 = arith.cmpi slt, %select_n3A_20, %lt3A_25 : i32
    %ne3A_27 = arith.xori %lt3A_24, %lt3A_26 : i1
    %and3A_28 = arith.andi %ne3A_27, %ne3A_23 : i1
    %add3A_29 = arith.addi %rem3A_21, %select_n3A_20 : i32
    %select_n3A_30 = arith.select %and3A_28, %add3A_29, %rem3A_21 : i32
    %mul3A_31 = arith.constant 16 : i32
    %mul3A_32 = arith.muli %arg0, %mul3A_31 : i32
    %add3A_33 = arith.addi %mul3A_32, %arg1 : i32
    %jit3A_34 = arith.constant 4 : i32
    %div3A_35 = arith.divsi %arg1, %jit3A_34 : i32
    %sign3A_36 = arith.constant 0 : i32
    %sign3A_37 = arith.cmpi sgt, %arg1, %sign3A_36 : i32
    %sign3A_38 = arith.extui %sign3A_37 : i1 to i32
    %sign3A_39 = arith.constant 0 : i32
    %sign3A_40 = arith.cmpi slt, %arg1, %sign3A_39 : i32
    %sign3A_41 = arith.extui %sign3A_40 : i1 to i32
    %sign3A_42 = arith.subi %sign3A_38, %sign3A_41 : i32
    %sign3A_43 = arith.constant 0 : i32
    %sign3A_44 = arith.cmpi sgt, %jit3A_34, %sign3A_43 : i32
    %sign3A_45 = arith.extui %sign3A_44 : i1 to i32
    %sign3A_46 = arith.constant 0 : i32
    %sign3A_47 = arith.cmpi slt, %jit3A_34, %sign3A_46 : i32
    %sign3A_48 = arith.extui %sign3A_47 : i1 to i32
    %sign3A_49 = arith.subi %sign3A_45, %sign3A_48 : i32
    %ne3A_50 = arith.cmpi ne, %sign3A_42, %sign3A_49 : i32
    %rem3A_51 = arith.remsi %arg1, %jit3A_34 : i32
    %ne3A_52 = arith.constant 0 : i32
    %ne3A_53 = arith.cmpi ne, %rem3A_51, %ne3A_52 : i32
    %and3A_54 = arith.andi %ne3A_50, %ne3A_53 : i1
    %sub3A_55 = arith.constant 1 : i32
    %sub3A_56 = arith.subi %div3A_35, %sub3A_55 : i32
    %select_n3A_57 = arith.select %and3A_54, %sub3A_56, %div3A_35 : i32
    %iota3A = tpu.iota {dimensions = array<i32: 0>} : vector<16xi32>
    %broadcast_in_dim3A = arith.constant 0.000000e+00 : f32
    %broadcast_in_dim3A_58 = vector.broadcast %broadcast_in_dim3A : f32 to vector<16xf32>
    %broadcast_in_dim3A_59 = arith.constant 2.000000e+00 : f32
    %broadcast_in_dim3A_60 = vector.broadcast %broadcast_in_dim3A_59 : f32 to vector<16xf32>
    %broadcast_in_dim3A_61 = arith.constant 1.000000e+00 : f32
    %broadcast_in_dim3A_62 = vector.broadcast %broadcast_in_dim3A_61 : f32 to vector<16xf32>
    %add3A_63 = arith.constant 0 : i32
    %add3A_64 = arith.addi %add3A_63, %add3A : i32
    %mul3A_65 = arith.constant 10112 : i32
    %mul3A_66 = arith.muli %add3A_64, %mul3A_65 : i32
    %dma_start3A = arith.constant 0 : i32
    %dma_start3A_67 = tpu.memref_slice %arg6[%dma_start3A] : memref<30592xf32, #tpu.memory_space<vmem>> -> memref<10112xf32, #tpu.memory_space<vmem>>
    %dma_start3A_68 = tpu.memref_slice %arg2[%mul3A_66] : memref<242688xf32, #tpu.memory_space<hbm>> -> memref<10112xf32, #tpu.memory_space<hbm>>
    %dma_start3A_69 = arith.constant 0 : i32
    %dma_start3A_70 = tpu.memref_slice %arg6[%dma_start3A_69] : memref<30592xf32, #tpu.memory_space<vmem>> -> memref<10112xf32, #tpu.memory_space<vmem>>
    %dma_start3A_71 = tpu.memref_slice %arg2[%mul3A_66] : memref<242688xf32, #tpu.memory_space<hbm>> -> memref<10112xf32, #tpu.memory_space<hbm>>
    tpu.enqueue_dma source(%dma_start3A_71 : memref<10112xf32, #tpu.memory_space<hbm>>) target(%dma_start3A_70 : memref<10112xf32, #tpu.memory_space<vmem>>) target_semaphore(%arg13 : memref<!tpu.dma_semaphore, #tpu.memory_space<semaphore_mem>>)
    %add3A_72 = arith.constant 8 : i32
    %add3A_73 = arith.addi %add3A_72, %add3A : i32
    %mul3A_74 = arith.constant 10112 : i32
    %mul3A_75 = arith.muli %add3A_73, %mul3A_74 : i32
    %dma_start3A_76 = arith.constant 10112 : i32
    %dma_start3A_77 = tpu.memref_slice %arg6[%dma_start3A_76] : memref<30592xf32, #tpu.memory_space<vmem>> -> memref<10112xf32, #tpu.memory_space<vmem>>
    %dma_start3A_78 = tpu.memref_slice %arg2[%mul3A_75] : memref<242688xf32, #tpu.memory_space<hbm>> -> memref<10112xf32, #tpu.memory_space<hbm>>
    %dma_start3A_79 = arith.constant 10112 : i32
    %dma_start3A_80 = tpu.memref_slice %arg6[%dma_start3A_79] : memref<30592xf32, #tpu.memory_space<vmem>> -> memref<10112xf32, #tpu.memory_space<vmem>>
    %dma_start3A_81 = tpu.memref_slice %arg2[%mul3A_75] : memref<242688xf32, #tpu.memory_space<hbm>> -> memref<10112xf32, #tpu.memory_space<hbm>>
    tpu.enqueue_dma source(%dma_start3A_81 : memref<10112xf32, #tpu.memory_space<hbm>>) target(%dma_start3A_80 : memref<10112xf32, #tpu.memory_space<vmem>>) target_semaphore(%arg13 : memref<!tpu.dma_semaphore, #tpu.memory_space<semaphore_mem>>)
    %add3A_82 = arith.constant 16 : i32
    %add3A_83 = arith.addi %add3A_82, %add3A : i32
    %mul3A_84 = arith.constant 10112 : i32
    %mul3A_85 = arith.muli %add3A_83, %mul3A_84 : i32
    %dma_start3A_86 = arith.constant 20224 : i32
    %dma_start3A_87 = tpu.memref_slice %arg6[%dma_start3A_86] : memref<30592xf32, #tpu.memory_space<vmem>> -> memref<10112xf32, #tpu.memory_space<vmem>>
    %dma_start3A_88 = tpu.memref_slice %arg2[%mul3A_85] : memref<242688xf32, #tpu.memory_space<hbm>> -> memref<10112xf32, #tpu.memory_space<hbm>>
    %dma_start3A_89 = arith.constant 20224 : i32
    %dma_start3A_90 = tpu.memref_slice %arg6[%dma_start3A_89] : memref<30592xf32, #tpu.memory_space<vmem>> -> memref<10112xf32, #tpu.memory_space<vmem>>
    %dma_start3A_91 = tpu.memref_slice %arg2[%mul3A_85] : memref<242688xf32, #tpu.memory_space<hbm>> -> memref<10112xf32, #tpu.memory_space<hbm>>
    tpu.enqueue_dma source(%dma_start3A_91 : memref<10112xf32, #tpu.memory_space<hbm>>) target(%dma_start3A_90 : memref<10112xf32, #tpu.memory_space<vmem>>) target_semaphore(%arg13 : memref<!tpu.dma_semaphore, #tpu.memory_space<semaphore_mem>>)
    %mul3A_92 = arith.constant 5056 : i32
    %mul3A_93 = arith.muli %select_n3A_30, %mul3A_92 : i32
    %add3A_94 = arith.constant 0 : i32
    %add3A_95 = arith.addi %add3A_94, %mul3A_93 : i32
    %dma_start3A_96 = arith.constant 0 : i32
    %dma_start3A_97 = tpu.memref_slice %arg8[%dma_start3A_96] : memref<15168xi32, #tpu.memory_space<vmem>> -> memref<5056xi32, #tpu.memory_space<vmem>>
    %dma_start3A_98 = tpu.memref_slice %arg4[%add3A_95] : memref<60672xi32, #tpu.memory_space<hbm>> -> memref<5056xi32, #tpu.memory_space<hbm>>
    %dma_start3A_99 = arith.constant 0 : i32
    %dma_start3A_100 = tpu.memref_slice %arg8[%dma_start3A_99] : memref<15168xi32, #tpu.memory_space<vmem>> -> memref<5056xi32, #tpu.memory_space<vmem>>
    %dma_start3A_101 = tpu.memref_slice %arg4[%add3A_95] : memref<60672xi32, #tpu.memory_space<hbm>> -> memref<5056xi32, #tpu.memory_space<hbm>>
    tpu.enqueue_dma source(%dma_start3A_101 : memref<5056xi32, #tpu.memory_space<hbm>>) target(%dma_start3A_100 : memref<5056xi32, #tpu.memory_space<vmem>>) target_semaphore(%arg14 : memref<!tpu.dma_semaphore, #tpu.memory_space<semaphore_mem>>)
    %mul3A_102 = arith.constant 5056 : i32
    %mul3A_103 = arith.muli %select_n3A_30, %mul3A_102 : i32
    %add3A_104 = arith.constant 20224 : i32
    %add3A_105 = arith.addi %add3A_104, %mul3A_103 : i32
    %dma_start3A_106 = arith.constant 5056 : i32
    %dma_start3A_107 = tpu.memref_slice %arg8[%dma_start3A_106] : memref<15168xi32, #tpu.memory_space<vmem>> -> memref<5056xi32, #tpu.memory_space<vmem>>
    %dma_start3A_108 = tpu.memref_slice %arg4[%add3A_105] : memref<60672xi32, #tpu.memory_space<hbm>> -> memref<5056xi32, #tpu.memory_space<hbm>>
    %dma_start3A_109 = arith.constant 5056 : i32
    %dma_start3A_110 = tpu.memref_slice %arg8[%dma_start3A_109] : memref<15168xi32, #tpu.memory_space<vmem>> -> memref<5056xi32, #tpu.memory_space<vmem>>
    %dma_start3A_111 = tpu.memref_slice %arg4[%add3A_105] : memref<60672xi32, #tpu.memory_space<hbm>> -> memref<5056xi32, #tpu.memory_space<hbm>>
    tpu.enqueue_dma source(%dma_start3A_111 : memref<5056xi32, #tpu.memory_space<hbm>>) target(%dma_start3A_110 : memref<5056xi32, #tpu.memory_space<vmem>>) target_semaphore(%arg14 : memref<!tpu.dma_semaphore, #tpu.memory_space<semaphore_mem>>)
    %mul3A_112 = arith.constant 5056 : i32
    %mul3A_113 = arith.muli %select_n3A_30, %mul3A_112 : i32
    %add3A_114 = arith.constant 40448 : i32
    %add3A_115 = arith.addi %add3A_114, %mul3A_113 : i32
    %dma_start3A_116 = arith.constant 10112 : i32
    %dma_start3A_117 = tpu.memref_slice %arg8[%dma_start3A_116] : memref<15168xi32, #tpu.memory_space<vmem>> -> memref<5056xi32, #tpu.memory_space<vmem>>
    %dma_start3A_118 = tpu.memref_slice %arg4[%add3A_115] : memref<60672xi32, #tpu.memory_space<hbm>> -> memref<5056xi32, #tpu.memory_space<hbm>>
    %dma_start3A_119 = arith.constant 10112 : i32
    %dma_start3A_120 = tpu.memref_slice %arg8[%dma_start3A_119] : memref<15168xi32, #tpu.memory_space<vmem>> -> memref<5056xi32, #tpu.memory_space<vmem>>
    %dma_start3A_121 = tpu.memref_slice %arg4[%add3A_115] : memref<60672xi32, #tpu.memory_space<hbm>> -> memref<5056xi32, #tpu.memory_space<hbm>>
    tpu.enqueue_dma source(%dma_start3A_121 : memref<5056xi32, #tpu.memory_space<hbm>>) target(%dma_start3A_120 : memref<5056xi32, #tpu.memory_space<vmem>>) target_semaphore(%arg14 : memref<!tpu.dma_semaphore, #tpu.memory_space<semaphore_mem>>)
    %mul3A_122 = arith.constant 10112 : i32
    %mul3A_123 = arith.muli %add3A, %mul3A_122 : i32
    %dma_start3A_124 = arith.constant 0 : i32
    %dma_start3A_125 = tpu.memref_slice %arg7[%dma_start3A_124] : memref<20224xf32, #tpu.memory_space<vmem>> -> memref<10112xf32, #tpu.memory_space<vmem>>
    %dma_start3A_126 = tpu.memref_slice %arg3[%mul3A_123] : memref<242688xf32, #tpu.memory_space<hbm>> -> memref<10112xf32, #tpu.memory_space<hbm>>
    %dma_start3A_127 = arith.constant 0 : i32
    %dma_start3A_128 = tpu.memref_slice %arg7[%dma_start3A_127] : memref<20224xf32, #tpu.memory_space<vmem>> -> memref<10112xf32, #tpu.memory_space<vmem>>
    %dma_start3A_129 = tpu.memref_slice %arg3[%mul3A_123] : memref<242688xf32, #tpu.memory_space<hbm>> -> memref<10112xf32, #tpu.memory_space<hbm>>
    tpu.enqueue_dma source(%dma_start3A_129 : memref<10112xf32, #tpu.memory_space<hbm>>) target(%dma_start3A_128 : memref<10112xf32, #tpu.memory_space<vmem>>) target_semaphore(%arg15 : memref<!tpu.dma_semaphore, #tpu.memory_space<semaphore_mem>>)
    %parallel_loop3A = arith.constant 0 : i32
    %parallel_loop3A_130 = arith.constant 320 : i32
    %parallel_loop3A_131 = arith.constant 1 : i32
    scf.for %parallel_loop3A_658 = %parallel_loop3A to %parallel_loop3A_130 step %parallel_loop3A_131  : i32 {
      %parallel_loop3A_659 = arith.index_cast %parallel_loop3A_658 : i32 to index
      %parallel_loop3A_660 = arith.constant 0 : index
      %parallel_loop3A_661 = tpu.vector_load %arg9[%parallel_loop3A_659, %parallel_loop3A_660] {strides = array<i32>} : memref<320x128xf32, #tpu.memory_space<vmem>>, vector<16xf32>,
      tpu.vector_store %arg9[%parallel_loop3A_659, %parallel_loop3A_660], %broadcast_in_dim3A_58 {strides = array<i32>} : memref<320x128xf32, #tpu.memory_space<vmem>>, vector<16xf32>,
      %parallel_loop3A_662 = arith.index_cast %parallel_loop3A_658 : i32 to index
      %parallel_loop3A_663 = arith.constant 16 : index
      %parallel_loop3A_664 = tpu.vector_load %arg9[%parallel_loop3A_662, %parallel_loop3A_663] {strides = array<i32>} : memref<320x128xf32, #tpu.memory_space<vmem>>, vector<16xf32>,
      tpu.vector_store %arg9[%parallel_loop3A_662, %parallel_loop3A_663], %broadcast_in_dim3A_58 {strides = array<i32>} : memref<320x128xf32, #tpu.memory_space<vmem>>, vector<16xf32>,
      %parallel_loop3A_665 = arith.index_cast %parallel_loop3A_658 : i32 to index
      %parallel_loop3A_666 = arith.constant 32 : index
      %parallel_loop3A_667 = tpu.vector_load %arg9[%parallel_loop3A_665, %parallel_loop3A_666] {strides = array<i32>} : memref<320x128xf32, #tpu.memory_space<vmem>>, vector<16xf32>,
      tpu.vector_store %arg9[%parallel_loop3A_665, %parallel_loop3A_666], %broadcast_in_dim3A_58 {strides = array<i32>} : memref<320x128xf32, #tpu.memory_space<vmem>>, vector<16xf32>,
      %parallel_loop3A_668 = arith.index_cast %parallel_loop3A_658 : i32 to index
      %parallel_loop3A_669 = arith.constant 48 : index
      %parallel_loop3A_670 = tpu.vector_load %arg9[%parallel_loop3A_668, %parallel_loop3A_669] {strides = array<i32>} : memref<320x128xf32, #tpu.memory_space<vmem>>, vector<16xf32>,
      tpu.vector_store %arg9[%parallel_loop3A_668, %parallel_loop3A_669], %broadcast_in_dim3A_58 {strides = array<i32>} : memref<320x128xf32, #tpu.memory_space<vmem>>, vector<16xf32>,
      %parallel_loop3A_671 = arith.index_cast %parallel_loop3A_658 : i32 to index
      %parallel_loop3A_672 = arith.constant 64 : index
      %parallel_loop3A_673 = tpu.vector_load %arg9[%parallel_loop3A_671, %parallel_loop3A_672] {strides = array<i32>} : memref<320x128xf32, #tpu.memory_space<vmem>>, vector<16xf32>,
      tpu.vector_store %arg9[%parallel_loop3A_671, %parallel_loop3A_672], %broadcast_in_dim3A_58 {strides = array<i32>} : memref<320x128xf32, #tpu.memory_space<vmem>>, vector<16xf32>,
      %parallel_loop3A_674 = arith.index_cast %parallel_loop3A_658 : i32 to index
      %parallel_loop3A_675 = arith.constant 80 : index
      %parallel_loop3A_676 = tpu.vector_load %arg9[%parallel_loop3A_674, %parallel_loop3A_675] {strides = array<i32>} : memref<320x128xf32, #tpu.memory_space<vmem>>, vector<16xf32>,
      tpu.vector_store %arg9[%parallel_loop3A_674, %parallel_loop3A_675], %broadcast_in_dim3A_58 {strides = array<i32>} : memref<320x128xf32, #tpu.memory_space<vmem>>, vector<16xf32>,
      %parallel_loop3A_677 = arith.index_cast %parallel_loop3A_658 : i32 to index
      %parallel_loop3A_678 = arith.constant 96 : index
      %parallel_loop3A_679 = tpu.vector_load %arg9[%parallel_loop3A_677, %parallel_loop3A_678] {strides = array<i32>} : memref<320x128xf32, #tpu.memory_space<vmem>>, vector<16xf32>,
      tpu.vector_store %arg9[%parallel_loop3A_677, %parallel_loop3A_678], %broadcast_in_dim3A_58 {strides = array<i32>} : memref<320x128xf32, #tpu.memory_space<vmem>>, vector<16xf32>,
      %parallel_loop3A_680 = arith.index_cast %parallel_loop3A_658 : i32 to index
      %parallel_loop3A_681 = arith.constant 112 : index
      %parallel_loop3A_682 = tpu.vector_load %arg9[%parallel_loop3A_680, %parallel_loop3A_681] {strides = array<i32>} : memref<320x128xf32, #tpu.memory_space<vmem>>, vector<16xf32>,
      tpu.vector_store %arg9[%parallel_loop3A_680, %parallel_loop3A_681], %broadcast_in_dim3A_58 {strides = array<i32>} : memref<320x128xf32, #tpu.memory_space<vmem>>, vector<16xf32>,
    } {sc.loop_unroll_factor = 4 : i64, sc.parallel_access}
    %mul3A_132 = arith.constant 80 : i32
    %mul3A_133 = arith.muli %arg1, %mul3A_132 : i32
    "tpu.region"() ({
      %run_scoped3A = tpu.sem_alloc : memref<!tpu.dma_semaphore, #tpu.memory_space<semaphore_mem>>
      %dma_start3A_658 = arith.constant 0 : i32
      %dma_start3A_659 = arith.constant 0 : i32
      %dma_start3A_660 = tpu.memref_slice %arg9[%dma_start3A_658, %dma_start3A_659] : memref<320x128xf32, #tpu.memory_space<vmem>> -> memref<80x128xf32, #tpu.memory_space<vmem>>
      %dma_start3A_661 = arith.constant 0 : i32
      %dma_start3A_662 = tpu.memref_slice %arg12[%mul3A_133, %dma_start3A_661] : memref<1280x128xf32, #tpu.memory_space<vmem_shared>> -> memref<80x128xf32, #tpu.memory_space<vmem_shared>>
      %dma_start3A_663 = arith.constant 0 : i32
      %dma_start3A_664 = tpu.memref_slice %arg12[%mul3A_133, %dma_start3A_663] : memref<1280x128xf32, #tpu.memory_space<vmem_shared>> -> memref<80x128xf32, #tpu.memory_space<vmem_shared>>
      %dma_start3A_665 = arith.constant 0 : i32
      %dma_start3A_666 = arith.constant 0 : i32
      %dma_start3A_667 = tpu.memref_slice %arg9[%dma_start3A_665, %dma_start3A_666] : memref<320x128xf32, #tpu.memory_space<vmem>> -> memref<80x128xf32, #tpu.memory_space<vmem>>
      tpu.enqueue_dma source(%dma_start3A_667 : memref<80x128xf32, #tpu.memory_space<vmem>>) target(%dma_start3A_664 : memref<80x128xf32, #tpu.memory_space<vmem_shared>>) target_semaphore(%run_scoped3A : memref<!tpu.dma_semaphore, #tpu.memory_space<semaphore_mem>>)
      %dma_wait3A_668 = arith.constant 0 : i32
      %dma_wait3A_669 = arith.constant 0 : i32
      %dma_wait3A_670 = tpu.memref_slice %arg9[%dma_wait3A_668, %dma_wait3A_669] : memref<320x128xf32, #tpu.memory_space<vmem>> -> memref<80x128xf32, #tpu.memory_space<vmem>>
      %dma_wait3A_671 = arith.constant 0 : i32
      %dma_wait3A_672 = tpu.memref_slice %arg12[%mul3A_133, %dma_wait3A_671] : memref<1280x128xf32, #tpu.memory_space<vmem_shared>> -> memref<80x128xf32, #tpu.memory_space<vmem_shared>>
      %dma_wait3A_673 = arith.constant 0 : i32
      %dma_wait3A_674 = tpu.memref_slice %arg12[%mul3A_133, %dma_wait3A_673] : memref<1280x128xf32, #tpu.memory_space<vmem_shared>> -> memref<80x128xf32, #tpu.memory_space<vmem_shared>>
      %dma_wait3A_675 = arith.constant 0 : i32
      %dma_wait3A_676 = arith.constant 0 : i32
      %dma_wait3A_677 = tpu.memref_slice %arg9[%dma_wait3A_675, %dma_wait3A_676] : memref<320x128xf32, #tpu.memory_space<vmem>> -> memref<80x128xf32, #tpu.memory_space<vmem>>
      tpu.wait_dma2 semaphore(%run_scoped3A : memref<!tpu.dma_semaphore, #tpu.memory_space<semaphore_mem>>) src(%dma_wait3A_677 : memref<80x128xf32, #tpu.memory_space<vmem>>) dst(%dma_wait3A_674 : memref<80x128xf32, #tpu.memory_space<vmem_shared>>)
      tpu.yield
    }) : () -> ()
    %add3A_134 = arith.constant 8 : i32
    %add3A_135 = arith.addi %add3A_134, %add3A : i32
    %mul3A_136 = arith.constant 10112 : i32
    %mul3A_137 = arith.muli %add3A_135, %mul3A_136 : i32
    %dma_start3A_138 = arith.constant 10112 : i32
    %dma_start3A_139 = tpu.memref_slice %arg7[%dma_start3A_138] : memref<20224xf32, #tpu.memory_space<vmem>> -> memref<10112xf32, #tpu.memory_space<vmem>>
    %dma_start3A_140 = tpu.memref_slice %arg3[%mul3A_137] : memref<242688xf32, #tpu.memory_space<hbm>> -> memref<10112xf32, #tpu.memory_space<hbm>>
    %dma_start3A_141 = arith.constant 10112 : i32
    %dma_start3A_142 = tpu.memref_slice %arg7[%dma_start3A_141] : memref<20224xf32, #tpu.memory_space<vmem>> -> memref<10112xf32, #tpu.memory_space<vmem>>
    %dma_start3A_143 = tpu.memref_slice %arg3[%mul3A_137] : memref<242688xf32, #tpu.memory_space<hbm>> -> memref<10112xf32, #tpu.memory_space<hbm>>
    tpu.enqueue_dma source(%dma_start3A_143 : memref<10112xf32, #tpu.memory_space<hbm>>) target(%dma_start3A_142 : memref<10112xf32, #tpu.memory_space<vmem>>) target_semaphore(%arg16 : memref<!tpu.dma_semaphore, #tpu.memory_space<semaphore_mem>>)
    %dma_wait3A = arith.constant 0 : i32
    %dma_wait3A_144 = tpu.memref_slice %arg6[%dma_wait3A] : memref<30592xf32, #tpu.memory_space<vmem>> -> memref<10112xf32, #tpu.memory_space<vmem>>
    %dma_wait3A_145 = tpu.memref_slice %arg2[%mul3A_66] : memref<242688xf32, #tpu.memory_space<hbm>> -> memref<10112xf32, #tpu.memory_space<hbm>>
    %dma_wait3A_146 = arith.constant 0 : i32
    %dma_wait3A_147 = tpu.memref_slice %arg6[%dma_wait3A_146] : memref<30592xf32, #tpu.memory_space<vmem>> -> memref<10112xf32, #tpu.memory_space<vmem>>
    %dma_wait3A_148 = tpu.memref_slice %arg2[%mul3A_66] : memref<242688xf32, #tpu.memory_space<hbm>> -> memref<10112xf32, #tpu.memory_space<hbm>>
    tpu.wait_dma2 semaphore(%arg13 : memref<!tpu.dma_semaphore, #tpu.memory_space<semaphore_mem>>) src(%dma_wait3A_148 : memref<10112xf32, #tpu.memory_space<hbm>>) dst(%dma_wait3A_147 : memref<10112xf32, #tpu.memory_space<vmem>>)
    %dma_wait3A_149 = arith.constant 0 : i32
    %dma_wait3A_150 = tpu.memref_slice %arg7[%dma_wait3A_149] : memref<20224xf32, #tpu.memory_space<vmem>> -> memref<10112xf32, #tpu.memory_space<vmem>>
    %dma_wait3A_151 = tpu.memref_slice %arg3[%mul3A_123] : memref<242688xf32, #tpu.memory_space<hbm>> -> memref<10112xf32, #tpu.memory_space<hbm>>
    %dma_wait3A_152 = arith.constant 0 : i32
    %dma_wait3A_153 = tpu.memref_slice %arg7[%dma_wait3A_152] : memref<20224xf32, #tpu.memory_space<vmem>> -> memref<10112xf32, #tpu.memory_space<vmem>>
    %dma_wait3A_154 = tpu.memref_slice %arg3[%mul3A_123] : memref<242688xf32, #tpu.memory_space<hbm>> -> memref<10112xf32, #tpu.memory_space<hbm>>
    tpu.wait_dma2 semaphore(%arg15 : memref<!tpu.dma_semaphore, #tpu.memory_space<semaphore_mem>>) src(%dma_wait3A_154 : memref<10112xf32, #tpu.memory_space<hbm>>) dst(%dma_wait3A_153 : memref<10112xf32, #tpu.memory_space<vmem>>)
    %parallel_loop3A_155 = arith.constant 0 : i32
    %parallel_loop3A_156 = arith.constant 158 : i32
    %parallel_loop3A_157 = arith.constant 1 : i32
    scf.for %parallel_loop3A_658 = %parallel_loop3A_155 to %parallel_loop3A_156 step %parallel_loop3A_157  : i32 {
      %parallel_loop3A_659 = arith.constant 64 : i32
      %parallel_loop3A_660 = arith.muli %parallel_loop3A_658, %parallel_loop3A_659 : i32
      %parallel_loop3A_661 = arith.constant 0 : i32
      %parallel_loop3A_662 = arith.addi %parallel_loop3A_660, %parallel_loop3A_661 : i32
      %parallel_loop3A_663 = arith.constant 0 : i32
      %parallel_loop3A_664 = arith.addi %parallel_loop3A_663, %parallel_loop3A_662 : i32
      %parallel_loop3A_665 = arith.index_cast %parallel_loop3A_664 : i32 to index
      %parallel_loop3A_666 = tpu.vector_load %arg6[%parallel_loop3A_665] {strides = array<i32>} : memref<30592xf32, #tpu.memory_space<vmem>>, vector<16xf32>,
      %parallel_loop3A_667 = arith.constant 0 : i32
      %parallel_loop3A_668 = arith.addi %parallel_loop3A_667, %parallel_loop3A_662 : i32
      %parallel_loop3A_669 = arith.index_cast %parallel_loop3A_668 : i32 to index
      %parallel_loop3A_670 = tpu.vector_load %arg7[%parallel_loop3A_669] {strides = array<i32>} : memref<20224xf32, #tpu.memory_space<vmem>>, vector<16xf32>,
      %parallel_loop3A_671 = arith.subf %parallel_loop3A_666, %parallel_loop3A_670 : vector<16xf32>
      %parallel_loop3A_672 = arith.constant 0 : i32
      %parallel_loop3A_673 = arith.addi %parallel_loop3A_672, %parallel_loop3A_662 : i32
      %parallel_loop3A_674 = arith.index_cast %parallel_loop3A_673 : i32 to index
      %parallel_loop3A_675 = tpu.vector_load %arg6[%parallel_loop3A_674] {strides = array<i32>} : memref<30592xf32, #tpu.memory_space<vmem>>, vector<16xf32>,
      tpu.vector_store %arg6[%parallel_loop3A_674], %parallel_loop3A_671 {strides = array<i32>} : memref<30592xf32, #tpu.memory_space<vmem>>, vector<16xf32>,
      %parallel_loop3A_676 = arith.constant 64 : i32
      %parallel_loop3A_677 = arith.muli %parallel_loop3A_658, %parallel_loop3A_676 : i32
      %parallel_loop3A_678 = arith.constant 16 : i32
      %parallel_loop3A_679 = arith.addi %parallel_loop3A_677, %parallel_loop3A_678 : i32
      %parallel_loop3A_680 = arith.constant 0 : i32
      %parallel_loop3A_681 = arith.addi %parallel_loop3A_680, %parallel_loop3A_679 : i32
      %parallel_loop3A_682 = arith.index_cast %parallel_loop3A_681 : i32 to index
      %parallel_loop3A_683 = tpu.vector_load %arg6[%parallel_loop3A_682] {strides = array<i32>} : memref<30592xf32, #tpu.memory_space<vmem>>, vector<16xf32>,
      %parallel_loop3A_684 = arith.constant 0 : i32
      %parallel_loop3A_685 = arith.addi %parallel_loop3A_684, %parallel_loop3A_679 : i32
      %parallel_loop3A_686 = arith.index_cast %parallel_loop3A_685 : i32 to index
      %parallel_loop3A_687 = tpu.vector_load %arg7[%parallel_loop3A_686] {strides = array<i32>} : memref<20224xf32, #tpu.memory_space<vmem>>, vector<16xf32>,
      %parallel_loop3A_688 = arith.subf %parallel_loop3A_683, %parallel_loop3A_687 : vector<16xf32>
      %parallel_loop3A_689 = arith.constant 0 : i32
      %parallel_loop3A_690 = arith.addi %parallel_loop3A_689, %parallel_loop3A_679 : i32
      %parallel_loop3A_691 = arith.index_cast %parallel_loop3A_690 : i32 to index
      %parallel_loop3A_692 = tpu.vector_load %arg6[%parallel_loop3A_691] {strides = array<i32>} : memref<30592xf32, #tpu.memory_space<vmem>>, vector<16xf32>,
      tpu.vector_store %arg6[%parallel_loop3A_691], %parallel_loop3A_688 {strides = array<i32>} : memref<30592xf32, #tpu.memory_space<vmem>>, vector<16xf32>,
      %parallel_loop3A_693 = arith.constant 64 : i32
      %parallel_loop3A_694 = arith.muli %parallel_loop3A_658, %parallel_loop3A_693 : i32
      %parallel_loop3A_695 = arith.constant 32 : i32
      %parallel_loop3A_696 = arith.addi %parallel_loop3A_694, %parallel_loop3A_695 : i32
      %parallel_loop3A_697 = arith.constant 0 : i32
      %parallel_loop3A_698 = arith.addi %parallel_loop3A_697, %parallel_loop3A_696 : i32
      %parallel_loop3A_699 = arith.index_cast %parallel_loop3A_698 : i32 to index
      %parallel_loop3A_700 = tpu.vector_load %arg6[%parallel_loop3A_699] {strides = array<i32>} : memref<30592xf32, #tpu.memory_space<vmem>>, vector<16xf32>,
      %parallel_loop3A_701 = arith.constant 0 : i32
      %parallel_loop3A_702 = arith.addi %parallel_loop3A_701, %parallel_loop3A_696 : i32
      %parallel_loop3A_703 = arith.index_cast %parallel_loop3A_702 : i32 to index
      %parallel_loop3A_704 = tpu.vector_load %arg7[%parallel_loop3A_703] {strides = array<i32>} : memref<20224xf32, #tpu.memory_space<vmem>>, vector<16xf32>,
      %parallel_loop3A_705 = arith.subf %parallel_loop3A_700, %parallel_loop3A_704 : vector<16xf32>
      %parallel_loop3A_706 = arith.constant 0 : i32
      %parallel_loop3A_707 = arith.addi %parallel_loop3A_706, %parallel_loop3A_696 : i32
      %parallel_loop3A_708 = arith.index_cast %parallel_loop3A_707 : i32 to index
      %parallel_loop3A_709 = tpu.vector_load %arg6[%parallel_loop3A_708] {strides = array<i32>} : memref<30592xf32, #tpu.memory_space<vmem>>, vector<16xf32>,
      tpu.vector_store %arg6[%parallel_loop3A_708], %parallel_loop3A_705 {strides = array<i32>} : memref<30592xf32, #tpu.memory_space<vmem>>, vector<16xf32>,
      %parallel_loop3A_710 = arith.constant 64 : i32
      %parallel_loop3A_711 = arith.muli %parallel_loop3A_658, %parallel_loop3A_710 : i32
      %parallel_loop3A_712 = arith.constant 48 : i32
      %parallel_loop3A_713 = arith.addi %parallel_loop3A_711, %parallel_loop3A_712 : i32
      %parallel_loop3A_714 = arith.constant 0 : i32
      %parallel_loop3A_715 = arith.addi %parallel_loop3A_714, %parallel_loop3A_713 : i32
      %parallel_loop3A_716 = arith.index_cast %parallel_loop3A_715 : i32 to index
      %parallel_loop3A_717 = tpu.vector_load %arg6[%parallel_loop3A_716] {strides = array<i32>} : memref<30592xf32, #tpu.memory_space<vmem>>, vector<16xf32>,
      %parallel_loop3A_718 = arith.constant 0 : i32
      %parallel_loop3A_719 = arith.addi %parallel_loop3A_718, %parallel_loop3A_713 : i32
      %parallel_loop3A_720 = arith.index_cast %parallel_loop3A_719 : i32 to index
      %parallel_loop3A_721 = tpu.vector_load %arg7[%parallel_loop3A_720] {strides = array<i32>} : memref<20224xf32, #tpu.memory_space<vmem>>, vector<16xf32>,
      %parallel_loop3A_722 = arith.subf %parallel_loop3A_717, %parallel_loop3A_721 : vector<16xf32>
      %parallel_loop3A_723 = arith.constant 0 : i32
      %parallel_loop3A_724 = arith.addi %parallel_loop3A_723, %parallel_loop3A_713 : i32
      %parallel_loop3A_725 = arith.index_cast %parallel_loop3A_724 : i32 to index
      %parallel_loop3A_726 = tpu.vector_load %arg6[%parallel_loop3A_725] {strides = array<i32>} : memref<30592xf32, #tpu.memory_space<vmem>>, vector<16xf32>,
      tpu.vector_store %arg6[%parallel_loop3A_725], %parallel_loop3A_722 {strides = array<i32>} : memref<30592xf32, #tpu.memory_space<vmem>>, vector<16xf32>,
    } {sc.loop_unroll_factor = 2 : i64, sc.parallel_access}
    %add3A_158 = arith.constant 16 : i32
    %add3A_159 = arith.addi %add3A_158, %add3A : i32
    %mul3A_160 = arith.constant 10112 : i32
    %mul3A_161 = arith.muli %add3A_159, %mul3A_160 : i32
    %dma_start3A_162 = arith.constant 0 : i32
    %dma_start3A_163 = tpu.memref_slice %arg7[%dma_start3A_162] : memref<20224xf32, #tpu.memory_space<vmem>> -> memref<10112xf32, #tpu.memory_space<vmem>>
    %dma_start3A_164 = tpu.memref_slice %arg3[%mul3A_161] : memref<242688xf32, #tpu.memory_space<hbm>> -> memref<10112xf32, #tpu.memory_space<hbm>>
    %dma_start3A_165 = arith.constant 0 : i32
    %dma_start3A_166 = tpu.memref_slice %arg7[%dma_start3A_165] : memref<20224xf32, #tpu.memory_space<vmem>> -> memref<10112xf32, #tpu.memory_space<vmem>>
    %dma_start3A_167 = tpu.memref_slice %arg3[%mul3A_161] : memref<242688xf32, #tpu.memory_space<hbm>> -> memref<10112xf32, #tpu.memory_space<hbm>>
    tpu.enqueue_dma source(%dma_start3A_167 : memref<10112xf32, #tpu.memory_space<hbm>>) target(%dma_start3A_166 : memref<10112xf32, #tpu.memory_space<vmem>>) target_semaphore(%arg15 : memref<!tpu.dma_semaphore, #tpu.memory_space<semaphore_mem>>)
    %dma_wait3A_168 = arith.constant 10112 : i32
    %dma_wait3A_169 = tpu.memref_slice %arg6[%dma_wait3A_168] : memref<30592xf32, #tpu.memory_space<vmem>> -> memref<10112xf32, #tpu.memory_space<vmem>>
    %dma_wait3A_170 = tpu.memref_slice %arg2[%mul3A_75] : memref<242688xf32, #tpu.memory_space<hbm>> -> memref<10112xf32, #tpu.memory_space<hbm>>
    %dma_wait3A_171 = arith.constant 10112 : i32
    %dma_wait3A_172 = tpu.memref_slice %arg6[%dma_wait3A_171] : memref<30592xf32, #tpu.memory_space<vmem>> -> memref<10112xf32, #tpu.memory_space<vmem>>
    %dma_wait3A_173 = tpu.memref_slice %arg2[%mul3A_75] : memref<242688xf32, #tpu.memory_space<hbm>> -> memref<10112xf32, #tpu.memory_space<hbm>>
    tpu.wait_dma2 semaphore(%arg13 : memref<!tpu.dma_semaphore, #tpu.memory_space<semaphore_mem>>) src(%dma_wait3A_173 : memref<10112xf32, #tpu.memory_space<hbm>>) dst(%dma_wait3A_172 : memref<10112xf32, #tpu.memory_space<vmem>>)
    %dma_wait3A_174 = arith.constant 10112 : i32
    %dma_wait3A_175 = tpu.memref_slice %arg7[%dma_wait3A_174] : memref<20224xf32, #tpu.memory_space<vmem>> -> memref<10112xf32, #tpu.memory_space<vmem>>
    %dma_wait3A_176 = tpu.memref_slice %arg3[%mul3A_137] : memref<242688xf32, #tpu.memory_space<hbm>> -> memref<10112xf32, #tpu.memory_space<hbm>>
    %dma_wait3A_177 = arith.constant 10112 : i32
    %dma_wait3A_178 = tpu.memref_slice %arg7[%dma_wait3A_177] : memref<20224xf32, #tpu.memory_space<vmem>> -> memref<10112xf32, #tpu.memory_space<vmem>>
    %dma_wait3A_179 = tpu.memref_slice %arg3[%mul3A_137] : memref<242688xf32, #tpu.memory_space<hbm>> -> memref<10112xf32, #tpu.memory_space<hbm>>
    tpu.wait_dma2 semaphore(%arg16 : memref<!tpu.dma_semaphore, #tpu.memory_space<semaphore_mem>>) src(%dma_wait3A_179 : memref<10112xf32, #tpu.memory_space<hbm>>) dst(%dma_wait3A_178 : memref<10112xf32, #tpu.memory_space<vmem>>)
    %parallel_loop3A_180 = arith.constant 0 : i32
    %parallel_loop3A_181 = arith.constant 158 : i32
    %parallel_loop3A_182 = arith.constant 1 : i32
    scf.for %parallel_loop3A_658 = %parallel_loop3A_180 to %parallel_loop3A_181 step %parallel_loop3A_182  : i32 {
      %parallel_loop3A_659 = arith.constant 64 : i32
      %parallel_loop3A_660 = arith.muli %parallel_loop3A_658, %parallel_loop3A_659 : i32
      %parallel_loop3A_661 = arith.constant 0 : i32
      %parallel_loop3A_662 = arith.addi %parallel_loop3A_660, %parallel_loop3A_661 : i32
      %parallel_loop3A_663 = arith.constant 10112 : i32
      %parallel_loop3A_664 = arith.addi %parallel_loop3A_663, %parallel_loop3A_662 : i32
      %parallel_loop3A_665 = arith.index_cast %parallel_loop3A_664 : i32 to index
      %parallel_loop3A_666 = tpu.vector_load %arg6[%parallel_loop3A_665] {strides = array<i32>} : memref<30592xf32, #tpu.memory_space<vmem>>, vector<16xf32>,
      %parallel_loop3A_667 = arith.constant 10112 : i32
      %parallel_loop3A_668 = arith.addi %parallel_loop3A_667, %parallel_loop3A_662 : i32
      %parallel_loop3A_669 = arith.index_cast %parallel_loop3A_668 : i32 to index
      %parallel_loop3A_670 = tpu.vector_load %arg7[%parallel_loop3A_669] {strides = array<i32>} : memref<20224xf32, #tpu.memory_space<vmem>>, vector<16xf32>,
      %parallel_loop3A_671 = arith.subf %parallel_loop3A_666, %parallel_loop3A_670 : vector<16xf32>
      %parallel_loop3A_672 = arith.constant 10112 : i32
      %parallel_loop3A_673 = arith.addi %parallel_loop3A_672, %parallel_loop3A_662 : i32
      %parallel_loop3A_674 = arith.index_cast %parallel_loop3A_673 : i32 to index
      %parallel_loop3A_675 = tpu.vector_load %arg6[%parallel_loop3A_674] {strides = array<i32>} : memref<30592xf32, #tpu.memory_space<vmem>>, vector<16xf32>,
      tpu.vector_store %arg6[%parallel_loop3A_674], %parallel_loop3A_671 {strides = array<i32>} : memref<30592xf32, #tpu.memory_space<vmem>>, vector<16xf32>,
      %parallel_loop3A_676 = arith.constant 64 : i32
      %parallel_loop3A_677 = arith.muli %parallel_loop3A_658, %parallel_loop3A_676 : i32
      %parallel_loop3A_678 = arith.constant 16 : i32
      %parallel_loop3A_679 = arith.addi %parallel_loop3A_677, %parallel_loop3A_678 : i32
      %parallel_loop3A_680 = arith.constant 10112 : i32
      %parallel_loop3A_681 = arith.addi %parallel_loop3A_680, %parallel_loop3A_679 : i32
      %parallel_loop3A_682 = arith.index_cast %parallel_loop3A_681 : i32 to index
      %parallel_loop3A_683 = tpu.vector_load %arg6[%parallel_loop3A_682] {strides = array<i32>} : memref<30592xf32, #tpu.memory_space<vmem>>, vector<16xf32>,
      %parallel_loop3A_684 = arith.constant 10112 : i32
      %parallel_loop3A_685 = arith.addi %parallel_loop3A_684, %parallel_loop3A_679 : i32
      %parallel_loop3A_686 = arith.index_cast %parallel_loop3A_685 : i32 to index
      %parallel_loop3A_687 = tpu.vector_load %arg7[%parallel_loop3A_686] {strides = array<i32>} : memref<20224xf32, #tpu.memory_space<vmem>>, vector<16xf32>,
      %parallel_loop3A_688 = arith.subf %parallel_loop3A_683, %parallel_loop3A_687 : vector<16xf32>
      %parallel_loop3A_689 = arith.constant 10112 : i32
      %parallel_loop3A_690 = arith.addi %parallel_loop3A_689, %parallel_loop3A_679 : i32
      %parallel_loop3A_691 = arith.index_cast %parallel_loop3A_690 : i32 to index
      %parallel_loop3A_692 = tpu.vector_load %arg6[%parallel_loop3A_691] {strides = array<i32>} : memref<30592xf32, #tpu.memory_space<vmem>>, vector<16xf32>,
      tpu.vector_store %arg6[%parallel_loop3A_691], %parallel_loop3A_688 {strides = array<i32>} : memref<30592xf32, #tpu.memory_space<vmem>>, vector<16xf32>,
      %parallel_loop3A_693 = arith.constant 64 : i32
      %parallel_loop3A_694 = arith.muli %parallel_loop3A_658, %parallel_loop3A_693 : i32
      %parallel_loop3A_695 = arith.constant 32 : i32
      %parallel_loop3A_696 = arith.addi %parallel_loop3A_694, %parallel_loop3A_695 : i32
      %parallel_loop3A_697 = arith.constant 10112 : i32
      %parallel_loop3A_698 = arith.addi %parallel_loop3A_697, %parallel_loop3A_696 : i32
      %parallel_loop3A_699 = arith.index_cast %parallel_loop3A_698 : i32 to index
      %parallel_loop3A_700 = tpu.vector_load %arg6[%parallel_loop3A_699] {strides = array<i32>} : memref<30592xf32, #tpu.memory_space<vmem>>, vector<16xf32>,
      %parallel_loop3A_701 = arith.constant 10112 : i32
      %parallel_loop3A_702 = arith.addi %parallel_loop3A_701, %parallel_loop3A_696 : i32
      %parallel_loop3A_703 = arith.index_cast %parallel_loop3A_702 : i32 to index
      %parallel_loop3A_704 = tpu.vector_load %arg7[%parallel_loop3A_703] {strides = array<i32>} : memref<20224xf32, #tpu.memory_space<vmem>>, vector<16xf32>,
      %parallel_loop3A_705 = arith.subf %parallel_loop3A_700, %parallel_loop3A_704 : vector<16xf32>
      %parallel_loop3A_706 = arith.constant 10112 : i32
      %parallel_loop3A_707 = arith.addi %parallel_loop3A_706, %parallel_loop3A_696 : i32
      %parallel_loop3A_708 = arith.index_cast %parallel_loop3A_707 : i32 to index
      %parallel_loop3A_709 = tpu.vector_load %arg6[%parallel_loop3A_708] {strides = array<i32>} : memref<30592xf32, #tpu.memory_space<vmem>>, vector<16xf32>,
      tpu.vector_store %arg6[%parallel_loop3A_708], %parallel_loop3A_705 {strides = array<i32>} : memref<30592xf32, #tpu.memory_space<vmem>>, vector<16xf32>,
      %parallel_loop3A_710 = arith.constant 64 : i32
      %parallel_loop3A_711 = arith.muli %parallel_loop3A_658, %parallel_loop3A_710 : i32
      %parallel_loop3A_712 = arith.constant 48 : i32
      %parallel_loop3A_713 = arith.addi %parallel_loop3A_711, %parallel_loop3A_712 : i32
      %parallel_loop3A_714 = arith.constant 10112 : i32
      %parallel_loop3A_715 = arith.addi %parallel_loop3A_714, %parallel_loop3A_713 : i32
      %parallel_loop3A_716 = arith.index_cast %parallel_loop3A_715 : i32 to index
      %parallel_loop3A_717 = tpu.vector_load %arg6[%parallel_loop3A_716] {strides = array<i32>} : memref<30592xf32, #tpu.memory_space<vmem>>, vector<16xf32>,
      %parallel_loop3A_718 = arith.constant 10112 : i32
      %parallel_loop3A_719 = arith.addi %parallel_loop3A_718, %parallel_loop3A_713 : i32
      %parallel_loop3A_720 = arith.index_cast %parallel_loop3A_719 : i32 to index
      %parallel_loop3A_721 = tpu.vector_load %arg7[%parallel_loop3A_720] {strides = array<i32>} : memref<20224xf32, #tpu.memory_space<vmem>>, vector<16xf32>,
      %parallel_loop3A_722 = arith.subf %parallel_loop3A_717, %parallel_loop3A_721 : vector<16xf32>
      %parallel_loop3A_723 = arith.constant 10112 : i32
      %parallel_loop3A_724 = arith.addi %parallel_loop3A_723, %parallel_loop3A_713 : i32
      %parallel_loop3A_725 = arith.index_cast %parallel_loop3A_724 : i32 to index
      %parallel_loop3A_726 = tpu.vector_load %arg6[%parallel_loop3A_725] {strides = array<i32>} : memref<30592xf32, #tpu.memory_space<vmem>>, vector<16xf32>,
      tpu.vector_store %arg6[%parallel_loop3A_725], %parallel_loop3A_722 {strides = array<i32>} : memref<30592xf32, #tpu.memory_space<vmem>>, vector<16xf32>,
    } {sc.loop_unroll_factor = 2 : i64, sc.parallel_access}
    %dma_wait3A_183 = arith.constant 20224 : i32
    %dma_wait3A_184 = tpu.memref_slice %arg6[%dma_wait3A_183] : memref<30592xf32, #tpu.memory_space<vmem>> -> memref<10112xf32, #tpu.memory_space<vmem>>
    %dma_wait3A_185 = tpu.memref_slice %arg2[%mul3A_85] : memref<242688xf32, #tpu.memory_space<hbm>> -> memref<10112xf32, #tpu.memory_space<hbm>>
    %dma_wait3A_186 = arith.constant 20224 : i32
    %dma_wait3A_187 = tpu.memref_slice %arg6[%dma_wait3A_186] : memref<30592xf32, #tpu.memory_space<vmem>> -> memref<10112xf32, #tpu.memory_space<vmem>>
    %dma_wait3A_188 = tpu.memref_slice %arg2[%mul3A_85] : memref<242688xf32, #tpu.memory_space<hbm>> -> memref<10112xf32, #tpu.memory_space<hbm>>
    tpu.wait_dma2 semaphore(%arg13 : memref<!tpu.dma_semaphore, #tpu.memory_space<semaphore_mem>>) src(%dma_wait3A_188 : memref<10112xf32, #tpu.memory_space<hbm>>) dst(%dma_wait3A_187 : memref<10112xf32, #tpu.memory_space<vmem>>)
    %dma_wait3A_189 = arith.constant 0 : i32
    %dma_wait3A_190 = tpu.memref_slice %arg7[%dma_wait3A_189] : memref<20224xf32, #tpu.memory_space<vmem>> -> memref<10112xf32, #tpu.memory_space<vmem>>
    %dma_wait3A_191 = tpu.memref_slice %arg3[%mul3A_161] : memref<242688xf32, #tpu.memory_space<hbm>> -> memref<10112xf32, #tpu.memory_space<hbm>>
    %dma_wait3A_192 = arith.constant 0 : i32
    %dma_wait3A_193 = tpu.memref_slice %arg7[%dma_wait3A_192] : memref<20224xf32, #tpu.memory_space<vmem>> -> memref<10112xf32, #tpu.memory_space<vmem>>
    %dma_wait3A_194 = tpu.memref_slice %arg3[%mul3A_161] : memref<242688xf32, #tpu.memory_space<hbm>> -> memref<10112xf32, #tpu.memory_space<hbm>>
    tpu.wait_dma2 semaphore(%arg15 : memref<!tpu.dma_semaphore, #tpu.memory_space<semaphore_mem>>) src(%dma_wait3A_194 : memref<10112xf32, #tpu.memory_space<hbm>>) dst(%dma_wait3A_193 : memref<10112xf32, #tpu.memory_space<vmem>>)
    %parallel_loop3A_195 = arith.constant 0 : i32
    %parallel_loop3A_196 = arith.constant 158 : i32
    %parallel_loop3A_197 = arith.constant 1 : i32
    scf.for %parallel_loop3A_658 = %parallel_loop3A_195 to %parallel_loop3A_196 step %parallel_loop3A_197  : i32 {
      %parallel_loop3A_659 = arith.constant 64 : i32
      %parallel_loop3A_660 = arith.muli %parallel_loop3A_658, %parallel_loop3A_659 : i32
      %parallel_loop3A_661 = arith.constant 0 : i32
      %parallel_loop3A_662 = arith.addi %parallel_loop3A_660, %parallel_loop3A_661 : i32
      %parallel_loop3A_663 = arith.constant 20224 : i32
      %parallel_loop3A_664 = arith.addi %parallel_loop3A_663, %parallel_loop3A_662 : i32
      %parallel_loop3A_665 = arith.index_cast %parallel_loop3A_664 : i32 to index
      %parallel_loop3A_666 = tpu.vector_load %arg6[%parallel_loop3A_665] {strides = array<i32>} : memref<30592xf32, #tpu.memory_space<vmem>>, vector<16xf32>,
      %parallel_loop3A_667 = arith.constant 0 : i32
      %parallel_loop3A_668 = arith.addi %parallel_loop3A_667, %parallel_loop3A_662 : i32
      %parallel_loop3A_669 = arith.index_cast %parallel_loop3A_668 : i32 to index
      %parallel_loop3A_670 = tpu.vector_load %arg7[%parallel_loop3A_669] {strides = array<i32>} : memref<20224xf32, #tpu.memory_space<vmem>>, vector<16xf32>,
      %parallel_loop3A_671 = arith.subf %parallel_loop3A_666, %parallel_loop3A_670 : vector<16xf32>
      %parallel_loop3A_672 = arith.constant 20224 : i32
      %parallel_loop3A_673 = arith.addi %parallel_loop3A_672, %parallel_loop3A_662 : i32
      %parallel_loop3A_674 = arith.index_cast %parallel_loop3A_673 : i32 to index
      %parallel_loop3A_675 = tpu.vector_load %arg6[%parallel_loop3A_674] {strides = array<i32>} : memref<30592xf32, #tpu.memory_space<vmem>>, vector<16xf32>,
      tpu.vector_store %arg6[%parallel_loop3A_674], %parallel_loop3A_671 {strides = array<i32>} : memref<30592xf32, #tpu.memory_space<vmem>>, vector<16xf32>,
      %parallel_loop3A_676 = arith.constant 64 : i32
      %parallel_loop3A_677 = arith.muli %parallel_loop3A_658, %parallel_loop3A_676 : i32
      %parallel_loop3A_678 = arith.constant 16 : i32
      %parallel_loop3A_679 = arith.addi %parallel_loop3A_677, %parallel_loop3A_678 : i32
      %parallel_loop3A_680 = arith.constant 20224 : i32
      %parallel_loop3A_681 = arith.addi %parallel_loop3A_680, %parallel_loop3A_679 : i32
      %parallel_loop3A_682 = arith.index_cast %parallel_loop3A_681 : i32 to index
      %parallel_loop3A_683 = tpu.vector_load %arg6[%parallel_loop3A_682] {strides = array<i32>} : memref<30592xf32, #tpu.memory_space<vmem>>, vector<16xf32>,
      %parallel_loop3A_684 = arith.constant 0 : i32
      %parallel_loop3A_685 = arith.addi %parallel_loop3A_684, %parallel_loop3A_679 : i32
      %parallel_loop3A_686 = arith.index_cast %parallel_loop3A_685 : i32 to index
      %parallel_loop3A_687 = tpu.vector_load %arg7[%parallel_loop3A_686] {strides = array<i32>} : memref<20224xf32, #tpu.memory_space<vmem>>, vector<16xf32>,
      %parallel_loop3A_688 = arith.subf %parallel_loop3A_683, %parallel_loop3A_687 : vector<16xf32>
      %parallel_loop3A_689 = arith.constant 20224 : i32
      %parallel_loop3A_690 = arith.addi %parallel_loop3A_689, %parallel_loop3A_679 : i32
      %parallel_loop3A_691 = arith.index_cast %parallel_loop3A_690 : i32 to index
      %parallel_loop3A_692 = tpu.vector_load %arg6[%parallel_loop3A_691] {strides = array<i32>} : memref<30592xf32, #tpu.memory_space<vmem>>, vector<16xf32>,
      tpu.vector_store %arg6[%parallel_loop3A_691], %parallel_loop3A_688 {strides = array<i32>} : memref<30592xf32, #tpu.memory_space<vmem>>, vector<16xf32>,
      %parallel_loop3A_693 = arith.constant 64 : i32
      %parallel_loop3A_694 = arith.muli %parallel_loop3A_658, %parallel_loop3A_693 : i32
      %parallel_loop3A_695 = arith.constant 32 : i32
      %parallel_loop3A_696 = arith.addi %parallel_loop3A_694, %parallel_loop3A_695 : i32
      %parallel_loop3A_697 = arith.constant 20224 : i32
      %parallel_loop3A_698 = arith.addi %parallel_loop3A_697, %parallel_loop3A_696 : i32
      %parallel_loop3A_699 = arith.index_cast %parallel_loop3A_698 : i32 to index
      %parallel_loop3A_700 = tpu.vector_load %arg6[%parallel_loop3A_699] {strides = array<i32>} : memref<30592xf32, #tpu.memory_space<vmem>>, vector<16xf32>,
      %parallel_loop3A_701 = arith.constant 0 : i32
      %parallel_loop3A_702 = arith.addi %parallel_loop3A_701, %parallel_loop3A_696 : i32
      %parallel_loop3A_703 = arith.index_cast %parallel_loop3A_702 : i32 to index
      %parallel_loop3A_704 = tpu.vector_load %arg7[%parallel_loop3A_703] {strides = array<i32>} : memref<20224xf32, #tpu.memory_space<vmem>>, vector<16xf32>,
      %parallel_loop3A_705 = arith.subf %parallel_loop3A_700, %parallel_loop3A_704 : vector<16xf32>
      %parallel_loop3A_706 = arith.constant 20224 : i32
      %parallel_loop3A_707 = arith.addi %parallel_loop3A_706, %parallel_loop3A_696 : i32
      %parallel_loop3A_708 = arith.index_cast %parallel_loop3A_707 : i32 to index
      %parallel_loop3A_709 = tpu.vector_load %arg6[%parallel_loop3A_708] {strides = array<i32>} : memref<30592xf32, #tpu.memory_space<vmem>>, vector<16xf32>,
      tpu.vector_store %arg6[%parallel_loop3A_708], %parallel_loop3A_705 {strides = array<i32>} : memref<30592xf32, #tpu.memory_space<vmem>>, vector<16xf32>,
      %parallel_loop3A_710 = arith.constant 64 : i32
      %parallel_loop3A_711 = arith.muli %parallel_loop3A_658, %parallel_loop3A_710 : i32
      %parallel_loop3A_712 = arith.constant 48 : i32
      %parallel_loop3A_713 = arith.addi %parallel_loop3A_711, %parallel_loop3A_712 : i32
      %parallel_loop3A_714 = arith.constant 20224 : i32
      %parallel_loop3A_715 = arith.addi %parallel_loop3A_714, %parallel_loop3A_713 : i32
      %parallel_loop3A_716 = arith.index_cast %parallel_loop3A_715 : i32 to index
      %parallel_loop3A_717 = tpu.vector_load %arg6[%parallel_loop3A_716] {strides = array<i32>} : memref<30592xf32, #tpu.memory_space<vmem>>, vector<16xf32>,
      %parallel_loop3A_718 = arith.constant 0 : i32
      %parallel_loop3A_719 = arith.addi %parallel_loop3A_718, %parallel_loop3A_713 : i32
      %parallel_loop3A_720 = arith.index_cast %parallel_loop3A_719 : i32 to index
      %parallel_loop3A_721 = tpu.vector_load %arg7[%parallel_loop3A_720] {strides = array<i32>} : memref<20224xf32, #tpu.memory_space<vmem>>, vector<16xf32>,
      %parallel_loop3A_722 = arith.subf %parallel_loop3A_717, %parallel_loop3A_721 : vector<16xf32>
      %parallel_loop3A_723 = arith.constant 20224 : i32
      %parallel_loop3A_724 = arith.addi %parallel_loop3A_723, %parallel_loop3A_713 : i32
      %parallel_loop3A_725 = arith.index_cast %parallel_loop3A_724 : i32 to index
      %parallel_loop3A_726 = tpu.vector_load %arg6[%parallel_loop3A_725] {strides = array<i32>} : memref<30592xf32, #tpu.memory_space<vmem>>, vector<16xf32>,
      tpu.vector_store %arg6[%parallel_loop3A_725], %parallel_loop3A_722 {strides = array<i32>} : memref<30592xf32, #tpu.memory_space<vmem>>, vector<16xf32>,
    } {sc.loop_unroll_factor = 2 : i64, sc.parallel_access}
    %dma_wait3A_198 = arith.constant 0 : i32
    %dma_wait3A_199 = tpu.memref_slice %arg8[%dma_wait3A_198] : memref<15168xi32, #tpu.memory_space<vmem>> -> memref<5056xi32, #tpu.memory_space<vmem>>
    %dma_wait3A_200 = tpu.memref_slice %arg4[%add3A_95] : memref<60672xi32, #tpu.memory_space<hbm>> -> memref<5056xi32, #tpu.memory_space<hbm>>
    %dma_wait3A_201 = arith.constant 0 : i32
    %dma_wait3A_202 = tpu.memref_slice %arg8[%dma_wait3A_201] : memref<15168xi32, #tpu.memory_space<vmem>> -> memref<5056xi32, #tpu.memory_space<vmem>>
    %dma_wait3A_203 = tpu.memref_slice %arg4[%add3A_95] : memref<60672xi32, #tpu.memory_space<hbm>> -> memref<5056xi32, #tpu.memory_space<hbm>>
    tpu.wait_dma2 semaphore(%arg14 : memref<!tpu.dma_semaphore, #tpu.memory_space<semaphore_mem>>) src(%dma_wait3A_203 : memref<5056xi32, #tpu.memory_space<hbm>>) dst(%dma_wait3A_202 : memref<5056xi32, #tpu.memory_space<vmem>>)
    %dma_wait3A_204 = arith.constant 5056 : i32
    %dma_wait3A_205 = tpu.memref_slice %arg8[%dma_wait3A_204] : memref<15168xi32, #tpu.memory_space<vmem>> -> memref<5056xi32, #tpu.memory_space<vmem>>
    %dma_wait3A_206 = tpu.memref_slice %arg4[%add3A_105] : memref<60672xi32, #tpu.memory_space<hbm>> -> memref<5056xi32, #tpu.memory_space<hbm>>
    %dma_wait3A_207 = arith.constant 5056 : i32
    %dma_wait3A_208 = tpu.memref_slice %arg8[%dma_wait3A_207] : memref<15168xi32, #tpu.memory_space<vmem>> -> memref<5056xi32, #tpu.memory_space<vmem>>
    %dma_wait3A_209 = tpu.memref_slice %arg4[%add3A_105] : memref<60672xi32, #tpu.memory_space<hbm>> -> memref<5056xi32, #tpu.memory_space<hbm>>
    tpu.wait_dma2 semaphore(%arg14 : memref<!tpu.dma_semaphore, #tpu.memory_space<semaphore_mem>>) src(%dma_wait3A_209 : memref<5056xi32, #tpu.memory_space<hbm>>) dst(%dma_wait3A_208 : memref<5056xi32, #tpu.memory_space<vmem>>)
    %dma_wait3A_210 = arith.constant 10112 : i32
    %dma_wait3A_211 = tpu.memref_slice %arg8[%dma_wait3A_210] : memref<15168xi32, #tpu.memory_space<vmem>> -> memref<5056xi32, #tpu.memory_space<vmem>>
    %dma_wait3A_212 = tpu.memref_slice %arg4[%add3A_115] : memref<60672xi32, #tpu.memory_space<hbm>> -> memref<5056xi32, #tpu.memory_space<hbm>>
    %dma_wait3A_213 = arith.constant 10112 : i32
    %dma_wait3A_214 = tpu.memref_slice %arg8[%dma_wait3A_213] : memref<15168xi32, #tpu.memory_space<vmem>> -> memref<5056xi32, #tpu.memory_space<vmem>>
    %dma_wait3A_215 = tpu.memref_slice %arg4[%add3A_115] : memref<60672xi32, #tpu.memory_space<hbm>> -> memref<5056xi32, #tpu.memory_space<hbm>>
    tpu.wait_dma2 semaphore(%arg14 : memref<!tpu.dma_semaphore, #tpu.memory_space<semaphore_mem>>) src(%dma_wait3A_215 : memref<5056xi32, #tpu.memory_space<hbm>>) dst(%dma_wait3A_214 : memref<5056xi32, #tpu.memory_space<vmem>>)
    %mul3A_216 = arith.constant 5056 : i32
    %mul3A_217 = arith.muli %select_n3A_30, %mul3A_216 : i32
    %sub3A_218 = arith.constant 20000 : i32
    %sub3A_219 = arith.subi %sub3A_218, %mul3A_217 : i32
    %min3A = arith.constant 5056 : i32
    %min3A_220 = arith.minsi %sub3A_219, %min3A : i32
    %parallel_loop3A_221 = arith.constant 0 : i32
    %parallel_loop3A_222 = arith.constant 316 : i32
    %parallel_loop3A_223 = arith.constant 1 : i32
    scf.for %parallel_loop3A_658 = %parallel_loop3A_221 to %parallel_loop3A_222 step %parallel_loop3A_223  : i32 {
      %parallel_loop3A_659 = arith.constant 16 : i32
      %parallel_loop3A_660 = arith.muli %parallel_loop3A_658, %parallel_loop3A_659 : i32
      %parallel_loop3A_661 = vector.broadcast %parallel_loop3A_660 : i32 to vector<16xi32>
      %parallel_loop3A_662 = arith.addi %parallel_loop3A_661, %iota3A : vector<16xi32>
      %parallel_loop3A_663 = vector.broadcast %min3A_220 : i32 to vector<16xi32>
      %parallel_loop3A_664 = arith.cmpi slt, %parallel_loop3A_662, %parallel_loop3A_663 : vector<16xi32>
      %parallel_loop3A_665 = arith.index_cast %parallel_loop3A_660 : i32 to index
      %parallel_loop3A_666 = tpu.vector_load %arg8[%parallel_loop3A_665] {strides = array<i32>} : memref<15168xi32, #tpu.memory_space<vmem>>, vector<16xi32>,
      %parallel_loop3A_667 = arith.constant 5056 : i32
      %parallel_loop3A_668 = arith.addi %parallel_loop3A_667, %parallel_loop3A_660 : i32
      %parallel_loop3A_669 = arith.index_cast %parallel_loop3A_668 : i32 to index
      %parallel_loop3A_670 = tpu.vector_load %arg8[%parallel_loop3A_669] {strides = array<i32>} : memref<15168xi32, #tpu.memory_space<vmem>>, vector<16xi32>,
      %parallel_loop3A_671 = arith.constant 10112 : i32
      %parallel_loop3A_672 = arith.addi %parallel_loop3A_671, %parallel_loop3A_660 : i32
      %parallel_loop3A_673 = arith.index_cast %parallel_loop3A_672 : i32 to index
      %parallel_loop3A_674 = tpu.vector_load %arg8[%parallel_loop3A_673] {strides = array<i32>} : memref<15168xi32, #tpu.memory_space<vmem>>, vector<16xi32>,
      %parallel_loop3A_675 = arith.constant 7 : i32
      %parallel_loop3A_676 = vector.broadcast %parallel_loop3A_675 : i32 to vector<16xi32>
      %parallel_loop3A_677 = arith.shrsi %parallel_loop3A_666, %parallel_loop3A_676 : vector<16xi32>
      %parallel_loop3A_678 = arith.constant 127 : i32
      %parallel_loop3A_679 = vector.broadcast %parallel_loop3A_678 : i32 to vector<16xi32>
      %parallel_loop3A_680 = arith.andi %parallel_loop3A_666, %parallel_loop3A_679 : vector<16xi32>
      %parallel_loop3A_681 = arith.constant 7 : i32
      %parallel_loop3A_682 = vector.broadcast %parallel_loop3A_681 : i32 to vector<16xi32>
      %parallel_loop3A_683 = arith.shrsi %parallel_loop3A_670, %parallel_loop3A_682 : vector<16xi32>
      %parallel_loop3A_684 = arith.constant 127 : i32
      %parallel_loop3A_685 = vector.broadcast %parallel_loop3A_684 : i32 to vector<16xi32>
      %parallel_loop3A_686 = arith.andi %parallel_loop3A_670, %parallel_loop3A_685 : vector<16xi32>
      %parallel_loop3A_687 = arith.constant 7 : i32
      %parallel_loop3A_688 = vector.broadcast %parallel_loop3A_687 : i32 to vector<16xi32>
      %parallel_loop3A_689 = arith.shrsi %parallel_loop3A_674, %parallel_loop3A_688 : vector<16xi32>
      %parallel_loop3A_690 = arith.constant 127 : i32
      %parallel_loop3A_691 = vector.broadcast %parallel_loop3A_690 : i32 to vector<16xi32>
      %parallel_loop3A_692 = arith.andi %parallel_loop3A_674, %parallel_loop3A_691 : vector<16xi32>
      %parallel_loop3A_693 = arith.constant 0 : i32
      %parallel_loop3A_694 = vector.broadcast %parallel_loop3A_693 : i32 to vector<16xi32>
      %parallel_loop3A_695 = arith.addi %parallel_loop3A_666, %parallel_loop3A_694 : vector<16xi32>
      %parallel_loop3A_696 = tpu.vector_load_idx %arg6[%parallel_loop3A_695] : memref<30592xf32, #tpu.memory_space<vmem>>[vector<16xi32>], vector<16xf32>,
      %parallel_loop3A_697 = arith.constant 0 : i32
      %parallel_loop3A_698 = vector.broadcast %parallel_loop3A_697 : i32 to vector<16xi32>
      %parallel_loop3A_699 = arith.addi %parallel_loop3A_670, %parallel_loop3A_698 : vector<16xi32>
      %parallel_loop3A_700 = tpu.vector_load_idx %arg6[%parallel_loop3A_699] : memref<30592xf32, #tpu.memory_space<vmem>>[vector<16xi32>], vector<16xf32>,
      %parallel_loop3A_701 = arith.constant 0 : i32
      %parallel_loop3A_702 = vector.broadcast %parallel_loop3A_701 : i32 to vector<16xi32>
      %parallel_loop3A_703 = arith.addi %parallel_loop3A_674, %parallel_loop3A_702 : vector<16xi32>
      %parallel_loop3A_704 = tpu.vector_load_idx %arg6[%parallel_loop3A_703] : memref<30592xf32, #tpu.memory_space<vmem>>[vector<16xi32>], vector<16xf32>,
      %parallel_loop3A_705 = arith.addf %parallel_loop3A_696, %parallel_loop3A_700 : vector<16xf32>
      %parallel_loop3A_706 = arith.addf %parallel_loop3A_705, %parallel_loop3A_704 : vector<16xf32>
      %parallel_loop3A_707 = arith.constant 0 : i32
      %parallel_loop3A_708 = vector.broadcast %parallel_loop3A_707 : i32 to vector<16xi32>
      %parallel_loop3A_709 = arith.addi %parallel_loop3A_677, %parallel_loop3A_708 : vector<16xi32>
      %parallel_loop3A_710 = arith.subf %parallel_loop3A_706, %parallel_loop3A_696 : vector<16xf32>
      tpu.vector_store_idx %arg9[%parallel_loop3A_709, %parallel_loop3A_680], %parallel_loop3A_710 masked %parallel_loop3A_664 {add = true} : memref<320x128xf32, #tpu.memory_space<vmem>>[vector<16xi32>, vector<16xi32>], vector<16xf32>, vector<16xi1>
      %parallel_loop3A_711 = arith.constant 0 : i32
      %parallel_loop3A_712 = vector.broadcast %parallel_loop3A_711 : i32 to vector<16xi32>
      %parallel_loop3A_713 = arith.addi %parallel_loop3A_683, %parallel_loop3A_712 : vector<16xi32>
      %parallel_loop3A_714 = arith.subf %parallel_loop3A_706, %parallel_loop3A_700 : vector<16xf32>
      tpu.vector_store_idx %arg9[%parallel_loop3A_713, %parallel_loop3A_686], %parallel_loop3A_714 masked %parallel_loop3A_664 {add = true} : memref<320x128xf32, #tpu.memory_space<vmem>>[vector<16xi32>, vector<16xi32>], vector<16xf32>, vector<16xi1>
      %parallel_loop3A_715 = arith.constant 0 : i32
      %parallel_loop3A_716 = vector.broadcast %parallel_loop3A_715 : i32 to vector<16xi32>
      %parallel_loop3A_717 = arith.addi %parallel_loop3A_689, %parallel_loop3A_716 : vector<16xi32>
      %parallel_loop3A_718 = arith.subf %parallel_loop3A_706, %parallel_loop3A_704 : vector<16xf32>
      tpu.vector_store_idx %arg9[%parallel_loop3A_717, %parallel_loop3A_692], %parallel_loop3A_718 masked %parallel_loop3A_664 {add = true} : memref<320x128xf32, #tpu.memory_space<vmem>>[vector<16xi32>, vector<16xi32>], vector<16xf32>, vector<16xi1>
      %parallel_loop3A_719 = arith.constant 10112 : i32
      %parallel_loop3A_720 = vector.broadcast %parallel_loop3A_719 : i32 to vector<16xi32>
      %parallel_loop3A_721 = arith.addi %parallel_loop3A_666, %parallel_loop3A_720 : vector<16xi32>
      %parallel_loop3A_722 = tpu.vector_load_idx %arg6[%parallel_loop3A_721] : memref<30592xf32, #tpu.memory_space<vmem>>[vector<16xi32>], vector<16xf32>,
      %parallel_loop3A_723 = arith.constant 10112 : i32
      %parallel_loop3A_724 = vector.broadcast %parallel_loop3A_723 : i32 to vector<16xi32>
      %parallel_loop3A_725 = arith.addi %parallel_loop3A_670, %parallel_loop3A_724 : vector<16xi32>
      %parallel_loop3A_726 = tpu.vector_load_idx %arg6[%parallel_loop3A_725] : memref<30592xf32, #tpu.memory_space<vmem>>[vector<16xi32>], vector<16xf32>,
      %parallel_loop3A_727 = arith.constant 10112 : i32
      %parallel_loop3A_728 = vector.broadcast %parallel_loop3A_727 : i32 to vector<16xi32>
      %parallel_loop3A_729 = arith.addi %parallel_loop3A_674, %parallel_loop3A_728 : vector<16xi32>
      %parallel_loop3A_730 = tpu.vector_load_idx %arg6[%parallel_loop3A_729] : memref<30592xf32, #tpu.memory_space<vmem>>[vector<16xi32>], vector<16xf32>,
      %parallel_loop3A_731 = arith.addf %parallel_loop3A_722, %parallel_loop3A_726 : vector<16xf32>
      %parallel_loop3A_732 = arith.addf %parallel_loop3A_731, %parallel_loop3A_730 : vector<16xf32>
      %parallel_loop3A_733 = arith.constant 80 : i32
      %parallel_loop3A_734 = vector.broadcast %parallel_loop3A_733 : i32 to vector<16xi32>
      %parallel_loop3A_735 = arith.addi %parallel_loop3A_677, %parallel_loop3A_734 : vector<16xi32>
      %parallel_loop3A_736 = arith.subf %parallel_loop3A_732, %parallel_loop3A_722 : vector<16xf32>
      tpu.vector_store_idx %arg9[%parallel_loop3A_735, %parallel_loop3A_680], %parallel_loop3A_736 masked %parallel_loop3A_664 {add = true} : memref<320x128xf32, #tpu.memory_space<vmem>>[vector<16xi32>, vector<16xi32>], vector<16xf32>, vector<16xi1>
      %parallel_loop3A_737 = arith.constant 80 : i32
      %parallel_loop3A_738 = vector.broadcast %parallel_loop3A_737 : i32 to vector<16xi32>
      %parallel_loop3A_739 = arith.addi %parallel_loop3A_683, %parallel_loop3A_738 : vector<16xi32>
      %parallel_loop3A_740 = arith.subf %parallel_loop3A_732, %parallel_loop3A_726 : vector<16xf32>
      tpu.vector_store_idx %arg9[%parallel_loop3A_739, %parallel_loop3A_686], %parallel_loop3A_740 masked %parallel_loop3A_664 {add = true} : memref<320x128xf32, #tpu.memory_space<vmem>>[vector<16xi32>, vector<16xi32>], vector<16xf32>, vector<16xi1>
      %parallel_loop3A_741 = arith.constant 80 : i32
      %parallel_loop3A_742 = vector.broadcast %parallel_loop3A_741 : i32 to vector<16xi32>
      %parallel_loop3A_743 = arith.addi %parallel_loop3A_689, %parallel_loop3A_742 : vector<16xi32>
      %parallel_loop3A_744 = arith.subf %parallel_loop3A_732, %parallel_loop3A_730 : vector<16xf32>
      tpu.vector_store_idx %arg9[%parallel_loop3A_743, %parallel_loop3A_692], %parallel_loop3A_744 masked %parallel_loop3A_664 {add = true} : memref<320x128xf32, #tpu.memory_space<vmem>>[vector<16xi32>, vector<16xi32>], vector<16xf32>, vector<16xi1>
      %parallel_loop3A_745 = arith.constant 20224 : i32
      %parallel_loop3A_746 = vector.broadcast %parallel_loop3A_745 : i32 to vector<16xi32>
      %parallel_loop3A_747 = arith.addi %parallel_loop3A_666, %parallel_loop3A_746 : vector<16xi32>
      %parallel_loop3A_748 = tpu.vector_load_idx %arg6[%parallel_loop3A_747] : memref<30592xf32, #tpu.memory_space<vmem>>[vector<16xi32>], vector<16xf32>,
      %parallel_loop3A_749 = arith.constant 20224 : i32
      %parallel_loop3A_750 = vector.broadcast %parallel_loop3A_749 : i32 to vector<16xi32>
      %parallel_loop3A_751 = arith.addi %parallel_loop3A_670, %parallel_loop3A_750 : vector<16xi32>
      %parallel_loop3A_752 = tpu.vector_load_idx %arg6[%parallel_loop3A_751] : memref<30592xf32, #tpu.memory_space<vmem>>[vector<16xi32>], vector<16xf32>,
      %parallel_loop3A_753 = arith.constant 20224 : i32
      %parallel_loop3A_754 = vector.broadcast %parallel_loop3A_753 : i32 to vector<16xi32>
      %parallel_loop3A_755 = arith.addi %parallel_loop3A_674, %parallel_loop3A_754 : vector<16xi32>
      %parallel_loop3A_756 = tpu.vector_load_idx %arg6[%parallel_loop3A_755] : memref<30592xf32, #tpu.memory_space<vmem>>[vector<16xi32>], vector<16xf32>,
      %parallel_loop3A_757 = arith.addf %parallel_loop3A_748, %parallel_loop3A_752 : vector<16xf32>
      %parallel_loop3A_758 = arith.addf %parallel_loop3A_757, %parallel_loop3A_756 : vector<16xf32>
      %parallel_loop3A_759 = arith.constant 160 : i32
      %parallel_loop3A_760 = vector.broadcast %parallel_loop3A_759 : i32 to vector<16xi32>
      %parallel_loop3A_761 = arith.addi %parallel_loop3A_677, %parallel_loop3A_760 : vector<16xi32>
      %parallel_loop3A_762 = arith.subf %parallel_loop3A_758, %parallel_loop3A_748 : vector<16xf32>
      tpu.vector_store_idx %arg9[%parallel_loop3A_761, %parallel_loop3A_680], %parallel_loop3A_762 masked %parallel_loop3A_664 {add = true} : memref<320x128xf32, #tpu.memory_space<vmem>>[vector<16xi32>, vector<16xi32>], vector<16xf32>, vector<16xi1>
      %parallel_loop3A_763 = arith.constant 160 : i32
      %parallel_loop3A_764 = vector.broadcast %parallel_loop3A_763 : i32 to vector<16xi32>
      %parallel_loop3A_765 = arith.addi %parallel_loop3A_683, %parallel_loop3A_764 : vector<16xi32>
      %parallel_loop3A_766 = arith.subf %parallel_loop3A_758, %parallel_loop3A_752 : vector<16xf32>
      tpu.vector_store_idx %arg9[%parallel_loop3A_765, %parallel_loop3A_686], %parallel_loop3A_766 masked %parallel_loop3A_664 {add = true} : memref<320x128xf32, #tpu.memory_space<vmem>>[vector<16xi32>, vector<16xi32>], vector<16xf32>, vector<16xi1>
      %parallel_loop3A_767 = arith.constant 160 : i32
      %parallel_loop3A_768 = vector.broadcast %parallel_loop3A_767 : i32 to vector<16xi32>
      %parallel_loop3A_769 = arith.addi %parallel_loop3A_689, %parallel_loop3A_768 : vector<16xi32>
      %parallel_loop3A_770 = arith.subf %parallel_loop3A_758, %parallel_loop3A_756 : vector<16xf32>
      tpu.vector_store_idx %arg9[%parallel_loop3A_769, %parallel_loop3A_692], %parallel_loop3A_770 masked %parallel_loop3A_664 {add = true} : memref<320x128xf32, #tpu.memory_space<vmem>>[vector<16xi32>, vector<16xi32>], vector<16xf32>, vector<16xi1>
      %parallel_loop3A_771 = arith.constant 240 : i32
      %parallel_loop3A_772 = vector.broadcast %parallel_loop3A_771 : i32 to vector<16xi32>
      %parallel_loop3A_773 = arith.addi %parallel_loop3A_677, %parallel_loop3A_772 : vector<16xi32>
      tpu.vector_store_idx %arg9[%parallel_loop3A_773, %parallel_loop3A_680], %broadcast_in_dim3A_60 masked %parallel_loop3A_664 {add = true} : memref<320x128xf32, #tpu.memory_space<vmem>>[vector<16xi32>, vector<16xi32>], vector<16xf32>, vector<16xi1>
      %parallel_loop3A_774 = arith.constant 240 : i32
      %parallel_loop3A_775 = vector.broadcast %parallel_loop3A_774 : i32 to vector<16xi32>
      %parallel_loop3A_776 = arith.addi %parallel_loop3A_683, %parallel_loop3A_775 : vector<16xi32>
      tpu.vector_store_idx %arg9[%parallel_loop3A_776, %parallel_loop3A_686], %broadcast_in_dim3A_60 masked %parallel_loop3A_664 {add = true} : memref<320x128xf32, #tpu.memory_space<vmem>>[vector<16xi32>, vector<16xi32>], vector<16xf32>, vector<16xi1>
      %parallel_loop3A_777 = arith.constant 240 : i32
      %parallel_loop3A_778 = vector.broadcast %parallel_loop3A_777 : i32 to vector<16xi32>
      %parallel_loop3A_779 = arith.addi %parallel_loop3A_689, %parallel_loop3A_778 : vector<16xi32>
      tpu.vector_store_idx %arg9[%parallel_loop3A_779, %parallel_loop3A_692], %broadcast_in_dim3A_60 masked %parallel_loop3A_664 {add = true} : memref<320x128xf32, #tpu.memory_space<vmem>>[vector<16xi32>, vector<16xi32>], vector<16xf32>, vector<16xi1>
    } {sc.loop_unroll_factor = 2 : i64, sc.parallel_access}
    %barrier3A = arith.constant 0 : index
    tpu.barrier barrier_id(%barrier3A)
    %mul3A_224 = arith.constant 320 : i32
    %mul3A_225 = arith.muli %select_n3A_57, %mul3A_224 : i32
    %add3A_226 = arith.constant 0 : i32
    %add3A_227 = arith.addi %mul3A_225, %add3A_226 : i32
    %add3A_228 = vector.broadcast %add3A_227 : i32 to vector<16xi32>
    %add3A_229 = arith.addi %add3A_228, %iota3A : vector<16xi32>
    %dma_start3A_230 = arith.constant 0 : i32
    %dma_start3A_231 = arith.constant 0 : i32
    %dma_start3A_232 = tpu.memref_slice %arg9[%dma_start3A_230, %dma_start3A_231] : memref<320x128xf32, #tpu.memory_space<vmem>> -> memref<16x128xf32, #tpu.memory_space<vmem>>
    %dma_start3A_233 = arith.constant 0 : i32
    %dma_start3A_234 = arith.constant 0 : i32
    %dma_start3A_235 = tpu.memref_slice %arg12[%dma_start3A_233, %dma_start3A_234] : memref<1280x128xf32, #tpu.memory_space<vmem_shared>> -> memref<1280x128xf32, #tpu.memory_space<vmem_shared>>
    tpu.enqueue_indirect_dma source(%dma_start3A_232 : memref<16x128xf32, #tpu.memory_space<vmem>>) target(%dma_start3A_235 : memref<1280x128xf32, #tpu.memory_space<vmem_shared>>) offsets(%add3A_229 : vector<16xi32>) semaphore(%arg17 : memref<!tpu.dma_semaphore, #tpu.memory_space<semaphore_mem>>) {add = true}
    %add3A_236 = arith.constant 16 : i32
    %add3A_237 = arith.addi %mul3A_225, %add3A_236 : i32
    %add3A_238 = vector.broadcast %add3A_237 : i32 to vector<16xi32>
    %add3A_239 = arith.addi %add3A_238, %iota3A : vector<16xi32>
    %dma_start3A_240 = arith.constant 16 : i32
    %dma_start3A_241 = arith.constant 0 : i32
    %dma_start3A_242 = tpu.memref_slice %arg9[%dma_start3A_240, %dma_start3A_241] : memref<320x128xf32, #tpu.memory_space<vmem>> -> memref<16x128xf32, #tpu.memory_space<vmem>>
    %dma_start3A_243 = arith.constant 0 : i32
    %dma_start3A_244 = arith.constant 0 : i32
    %dma_start3A_245 = tpu.memref_slice %arg12[%dma_start3A_243, %dma_start3A_244] : memref<1280x128xf32, #tpu.memory_space<vmem_shared>> -> memref<1280x128xf32, #tpu.memory_space<vmem_shared>>
    tpu.enqueue_indirect_dma source(%dma_start3A_242 : memref<16x128xf32, #tpu.memory_space<vmem>>) target(%dma_start3A_245 : memref<1280x128xf32, #tpu.memory_space<vmem_shared>>) offsets(%add3A_239 : vector<16xi32>) semaphore(%arg17 : memref<!tpu.dma_semaphore, #tpu.memory_space<semaphore_mem>>) {add = true}
    %add3A_246 = arith.constant 32 : i32
    %add3A_247 = arith.addi %mul3A_225, %add3A_246 : i32
    %add3A_248 = vector.broadcast %add3A_247 : i32 to vector<16xi32>
    %add3A_249 = arith.addi %add3A_248, %iota3A : vector<16xi32>
    %dma_start3A_250 = arith.constant 32 : i32
    %dma_start3A_251 = arith.constant 0 : i32
    %dma_start3A_252 = tpu.memref_slice %arg9[%dma_start3A_250, %dma_start3A_251] : memref<320x128xf32, #tpu.memory_space<vmem>> -> memref<16x128xf32, #tpu.memory_space<vmem>>
    %dma_start3A_253 = arith.constant 0 : i32
    %dma_start3A_254 = arith.constant 0 : i32
    %dma_start3A_255 = tpu.memref_slice %arg12[%dma_start3A_253, %dma_start3A_254] : memref<1280x128xf32, #tpu.memory_space<vmem_shared>> -> memref<1280x128xf32, #tpu.memory_space<vmem_shared>>
    tpu.enqueue_indirect_dma source(%dma_start3A_252 : memref<16x128xf32, #tpu.memory_space<vmem>>) target(%dma_start3A_255 : memref<1280x128xf32, #tpu.memory_space<vmem_shared>>) offsets(%add3A_249 : vector<16xi32>) semaphore(%arg17 : memref<!tpu.dma_semaphore, #tpu.memory_space<semaphore_mem>>) {add = true}
    %add3A_256 = arith.constant 48 : i32
    %add3A_257 = arith.addi %mul3A_225, %add3A_256 : i32
    %add3A_258 = vector.broadcast %add3A_257 : i32 to vector<16xi32>
    %add3A_259 = arith.addi %add3A_258, %iota3A : vector<16xi32>
    %dma_start3A_260 = arith.constant 48 : i32
    %dma_start3A_261 = arith.constant 0 : i32
    %dma_start3A_262 = tpu.memref_slice %arg9[%dma_start3A_260, %dma_start3A_261] : memref<320x128xf32, #tpu.memory_space<vmem>> -> memref<16x128xf32, #tpu.memory_space<vmem>>
    %dma_start3A_263 = arith.constant 0 : i32
    %dma_start3A_264 = arith.constant 0 : i32
    %dma_start3A_265 = tpu.memref_slice %arg12[%dma_start3A_263, %dma_start3A_264] : memref<1280x128xf32, #tpu.memory_space<vmem_shared>> -> memref<1280x128xf32, #tpu.memory_space<vmem_shared>>
    tpu.enqueue_indirect_dma source(%dma_start3A_262 : memref<16x128xf32, #tpu.memory_space<vmem>>) target(%dma_start3A_265 : memref<1280x128xf32, #tpu.memory_space<vmem_shared>>) offsets(%add3A_259 : vector<16xi32>) semaphore(%arg17 : memref<!tpu.dma_semaphore, #tpu.memory_space<semaphore_mem>>) {add = true}
    %add3A_266 = arith.constant 64 : i32
    %add3A_267 = arith.addi %mul3A_225, %add3A_266 : i32
    %add3A_268 = vector.broadcast %add3A_267 : i32 to vector<16xi32>
    %add3A_269 = arith.addi %add3A_268, %iota3A : vector<16xi32>
    %dma_start3A_270 = arith.constant 64 : i32
    %dma_start3A_271 = arith.constant 0 : i32
    %dma_start3A_272 = tpu.memref_slice %arg9[%dma_start3A_270, %dma_start3A_271] : memref<320x128xf32, #tpu.memory_space<vmem>> -> memref<16x128xf32, #tpu.memory_space<vmem>>
    %dma_start3A_273 = arith.constant 0 : i32
    %dma_start3A_274 = arith.constant 0 : i32
    %dma_start3A_275 = tpu.memref_slice %arg12[%dma_start3A_273, %dma_start3A_274] : memref<1280x128xf32, #tpu.memory_space<vmem_shared>> -> memref<1280x128xf32, #tpu.memory_space<vmem_shared>>
    tpu.enqueue_indirect_dma source(%dma_start3A_272 : memref<16x128xf32, #tpu.memory_space<vmem>>) target(%dma_start3A_275 : memref<1280x128xf32, #tpu.memory_space<vmem_shared>>) offsets(%add3A_269 : vector<16xi32>) semaphore(%arg17 : memref<!tpu.dma_semaphore, #tpu.memory_space<semaphore_mem>>) {add = true}
    %add3A_276 = arith.constant 80 : i32
    %add3A_277 = arith.addi %mul3A_225, %add3A_276 : i32
    %add3A_278 = vector.broadcast %add3A_277 : i32 to vector<16xi32>
    %add3A_279 = arith.addi %add3A_278, %iota3A : vector<16xi32>
    %dma_start3A_280 = arith.constant 80 : i32
    %dma_start3A_281 = arith.constant 0 : i32
    %dma_start3A_282 = tpu.memref_slice %arg9[%dma_start3A_280, %dma_start3A_281] : memref<320x128xf32, #tpu.memory_space<vmem>> -> memref<16x128xf32, #tpu.memory_space<vmem>>
    %dma_start3A_283 = arith.constant 0 : i32
    %dma_start3A_284 = arith.constant 0 : i32
    %dma_start3A_285 = tpu.memref_slice %arg12[%dma_start3A_283, %dma_start3A_284] : memref<1280x128xf32, #tpu.memory_space<vmem_shared>> -> memref<1280x128xf32, #tpu.memory_space<vmem_shared>>
    tpu.enqueue_indirect_dma source(%dma_start3A_282 : memref<16x128xf32, #tpu.memory_space<vmem>>) target(%dma_start3A_285 : memref<1280x128xf32, #tpu.memory_space<vmem_shared>>) offsets(%add3A_279 : vector<16xi32>) semaphore(%arg17 : memref<!tpu.dma_semaphore, #tpu.memory_space<semaphore_mem>>) {add = true}
    %add3A_286 = arith.constant 96 : i32
    %add3A_287 = arith.addi %mul3A_225, %add3A_286 : i32
    %add3A_288 = vector.broadcast %add3A_287 : i32 to vector<16xi32>
    %add3A_289 = arith.addi %add3A_288, %iota3A : vector<16xi32>
    %dma_start3A_290 = arith.constant 96 : i32
    %dma_start3A_291 = arith.constant 0 : i32
    %dma_start3A_292 = tpu.memref_slice %arg9[%dma_start3A_290, %dma_start3A_291] : memref<320x128xf32, #tpu.memory_space<vmem>> -> memref<16x128xf32, #tpu.memory_space<vmem>>
    %dma_start3A_293 = arith.constant 0 : i32
    %dma_start3A_294 = arith.constant 0 : i32
    %dma_start3A_295 = tpu.memref_slice %arg12[%dma_start3A_293, %dma_start3A_294] : memref<1280x128xf32, #tpu.memory_space<vmem_shared>> -> memref<1280x128xf32, #tpu.memory_space<vmem_shared>>
    tpu.enqueue_indirect_dma source(%dma_start3A_292 : memref<16x128xf32, #tpu.memory_space<vmem>>) target(%dma_start3A_295 : memref<1280x128xf32, #tpu.memory_space<vmem_shared>>) offsets(%add3A_289 : vector<16xi32>) semaphore(%arg17 : memref<!tpu.dma_semaphore, #tpu.memory_space<semaphore_mem>>) {add = true}
    %add3A_296 = arith.constant 112 : i32
    %add3A_297 = arith.addi %mul3A_225, %add3A_296 : i32
    %add3A_298 = vector.broadcast %add3A_297 : i32 to vector<16xi32>
    %add3A_299 = arith.addi %add3A_298, %iota3A : vector<16xi32>
    %dma_start3A_300 = arith.constant 112 : i32
    %dma_start3A_301 = arith.constant 0 : i32
    %dma_start3A_302 = tpu.memref_slice %arg9[%dma_start3A_300, %dma_start3A_301] : memref<320x128xf32, #tpu.memory_space<vmem>> -> memref<16x128xf32, #tpu.memory_space<vmem>>
    %dma_start3A_303 = arith.constant 0 : i32
    %dma_start3A_304 = arith.constant 0 : i32
    %dma_start3A_305 = tpu.memref_slice %arg12[%dma_start3A_303, %dma_start3A_304] : memref<1280x128xf32, #tpu.memory_space<vmem_shared>> -> memref<1280x128xf32, #tpu.memory_space<vmem_shared>>
    tpu.enqueue_indirect_dma source(%dma_start3A_302 : memref<16x128xf32, #tpu.memory_space<vmem>>) target(%dma_start3A_305 : memref<1280x128xf32, #tpu.memory_space<vmem_shared>>) offsets(%add3A_299 : vector<16xi32>) semaphore(%arg17 : memref<!tpu.dma_semaphore, #tpu.memory_space<semaphore_mem>>) {add = true}
    %add3A_306 = arith.constant 128 : i32
    %add3A_307 = arith.addi %mul3A_225, %add3A_306 : i32
    %add3A_308 = vector.broadcast %add3A_307 : i32 to vector<16xi32>
    %add3A_309 = arith.addi %add3A_308, %iota3A : vector<16xi32>
    %dma_start3A_310 = arith.constant 128 : i32
    %dma_start3A_311 = arith.constant 0 : i32
    %dma_start3A_312 = tpu.memref_slice %arg9[%dma_start3A_310, %dma_start3A_311] : memref<320x128xf32, #tpu.memory_space<vmem>> -> memref<16x128xf32, #tpu.memory_space<vmem>>
    %dma_start3A_313 = arith.constant 0 : i32
    %dma_start3A_314 = arith.constant 0 : i32
    %dma_start3A_315 = tpu.memref_slice %arg12[%dma_start3A_313, %dma_start3A_314] : memref<1280x128xf32, #tpu.memory_space<vmem_shared>> -> memref<1280x128xf32, #tpu.memory_space<vmem_shared>>
    tpu.enqueue_indirect_dma source(%dma_start3A_312 : memref<16x128xf32, #tpu.memory_space<vmem>>) target(%dma_start3A_315 : memref<1280x128xf32, #tpu.memory_space<vmem_shared>>) offsets(%add3A_309 : vector<16xi32>) semaphore(%arg17 : memref<!tpu.dma_semaphore, #tpu.memory_space<semaphore_mem>>) {add = true}
    %add3A_316 = arith.constant 144 : i32
    %add3A_317 = arith.addi %mul3A_225, %add3A_316 : i32
    %add3A_318 = vector.broadcast %add3A_317 : i32 to vector<16xi32>
    %add3A_319 = arith.addi %add3A_318, %iota3A : vector<16xi32>
    %dma_start3A_320 = arith.constant 144 : i32
    %dma_start3A_321 = arith.constant 0 : i32
    %dma_start3A_322 = tpu.memref_slice %arg9[%dma_start3A_320, %dma_start3A_321] : memref<320x128xf32, #tpu.memory_space<vmem>> -> memref<16x128xf32, #tpu.memory_space<vmem>>
    %dma_start3A_323 = arith.constant 0 : i32
    %dma_start3A_324 = arith.constant 0 : i32
    %dma_start3A_325 = tpu.memref_slice %arg12[%dma_start3A_323, %dma_start3A_324] : memref<1280x128xf32, #tpu.memory_space<vmem_shared>> -> memref<1280x128xf32, #tpu.memory_space<vmem_shared>>
    tpu.enqueue_indirect_dma source(%dma_start3A_322 : memref<16x128xf32, #tpu.memory_space<vmem>>) target(%dma_start3A_325 : memref<1280x128xf32, #tpu.memory_space<vmem_shared>>) offsets(%add3A_319 : vector<16xi32>) semaphore(%arg17 : memref<!tpu.dma_semaphore, #tpu.memory_space<semaphore_mem>>) {add = true}
    %add3A_326 = arith.constant 160 : i32
    %add3A_327 = arith.addi %mul3A_225, %add3A_326 : i32
    %add3A_328 = vector.broadcast %add3A_327 : i32 to vector<16xi32>
    %add3A_329 = arith.addi %add3A_328, %iota3A : vector<16xi32>
    %dma_start3A_330 = arith.constant 160 : i32
    %dma_start3A_331 = arith.constant 0 : i32
    %dma_start3A_332 = tpu.memref_slice %arg9[%dma_start3A_330, %dma_start3A_331] : memref<320x128xf32, #tpu.memory_space<vmem>> -> memref<16x128xf32, #tpu.memory_space<vmem>>
    %dma_start3A_333 = arith.constant 0 : i32
    %dma_start3A_334 = arith.constant 0 : i32
    %dma_start3A_335 = tpu.memref_slice %arg12[%dma_start3A_333, %dma_start3A_334] : memref<1280x128xf32, #tpu.memory_space<vmem_shared>> -> memref<1280x128xf32, #tpu.memory_space<vmem_shared>>
    tpu.enqueue_indirect_dma source(%dma_start3A_332 : memref<16x128xf32, #tpu.memory_space<vmem>>) target(%dma_start3A_335 : memref<1280x128xf32, #tpu.memory_space<vmem_shared>>) offsets(%add3A_329 : vector<16xi32>) semaphore(%arg17 : memref<!tpu.dma_semaphore, #tpu.memory_space<semaphore_mem>>) {add = true}
    %add3A_336 = arith.constant 176 : i32
    %add3A_337 = arith.addi %mul3A_225, %add3A_336 : i32
    %add3A_338 = vector.broadcast %add3A_337 : i32 to vector<16xi32>
    %add3A_339 = arith.addi %add3A_338, %iota3A : vector<16xi32>
    %dma_start3A_340 = arith.constant 176 : i32
    %dma_start3A_341 = arith.constant 0 : i32
    %dma_start3A_342 = tpu.memref_slice %arg9[%dma_start3A_340, %dma_start3A_341] : memref<320x128xf32, #tpu.memory_space<vmem>> -> memref<16x128xf32, #tpu.memory_space<vmem>>
    %dma_start3A_343 = arith.constant 0 : i32
    %dma_start3A_344 = arith.constant 0 : i32
    %dma_start3A_345 = tpu.memref_slice %arg12[%dma_start3A_343, %dma_start3A_344] : memref<1280x128xf32, #tpu.memory_space<vmem_shared>> -> memref<1280x128xf32, #tpu.memory_space<vmem_shared>>
    tpu.enqueue_indirect_dma source(%dma_start3A_342 : memref<16x128xf32, #tpu.memory_space<vmem>>) target(%dma_start3A_345 : memref<1280x128xf32, #tpu.memory_space<vmem_shared>>) offsets(%add3A_339 : vector<16xi32>) semaphore(%arg17 : memref<!tpu.dma_semaphore, #tpu.memory_space<semaphore_mem>>) {add = true}
    %add3A_346 = arith.constant 192 : i32
    %add3A_347 = arith.addi %mul3A_225, %add3A_346 : i32
    %add3A_348 = vector.broadcast %add3A_347 : i32 to vector<16xi32>
    %add3A_349 = arith.addi %add3A_348, %iota3A : vector<16xi32>
    %dma_start3A_350 = arith.constant 192 : i32
    %dma_start3A_351 = arith.constant 0 : i32
    %dma_start3A_352 = tpu.memref_slice %arg9[%dma_start3A_350, %dma_start3A_351] : memref<320x128xf32, #tpu.memory_space<vmem>> -> memref<16x128xf32, #tpu.memory_space<vmem>>
    %dma_start3A_353 = arith.constant 0 : i32
    %dma_start3A_354 = arith.constant 0 : i32
    %dma_start3A_355 = tpu.memref_slice %arg12[%dma_start3A_353, %dma_start3A_354] : memref<1280x128xf32, #tpu.memory_space<vmem_shared>> -> memref<1280x128xf32, #tpu.memory_space<vmem_shared>>
    tpu.enqueue_indirect_dma source(%dma_start3A_352 : memref<16x128xf32, #tpu.memory_space<vmem>>) target(%dma_start3A_355 : memref<1280x128xf32, #tpu.memory_space<vmem_shared>>) offsets(%add3A_349 : vector<16xi32>) semaphore(%arg17 : memref<!tpu.dma_semaphore, #tpu.memory_space<semaphore_mem>>) {add = true}
    %add3A_356 = arith.constant 208 : i32
    %add3A_357 = arith.addi %mul3A_225, %add3A_356 : i32
    %add3A_358 = vector.broadcast %add3A_357 : i32 to vector<16xi32>
    %add3A_359 = arith.addi %add3A_358, %iota3A : vector<16xi32>
    %dma_start3A_360 = arith.constant 208 : i32
    %dma_start3A_361 = arith.constant 0 : i32
    %dma_start3A_362 = tpu.memref_slice %arg9[%dma_start3A_360, %dma_start3A_361] : memref<320x128xf32, #tpu.memory_space<vmem>> -> memref<16x128xf32, #tpu.memory_space<vmem>>
    %dma_start3A_363 = arith.constant 0 : i32
    %dma_start3A_364 = arith.constant 0 : i32
    %dma_start3A_365 = tpu.memref_slice %arg12[%dma_start3A_363, %dma_start3A_364] : memref<1280x128xf32, #tpu.memory_space<vmem_shared>> -> memref<1280x128xf32, #tpu.memory_space<vmem_shared>>
    tpu.enqueue_indirect_dma source(%dma_start3A_362 : memref<16x128xf32, #tpu.memory_space<vmem>>) target(%dma_start3A_365 : memref<1280x128xf32, #tpu.memory_space<vmem_shared>>) offsets(%add3A_359 : vector<16xi32>) semaphore(%arg17 : memref<!tpu.dma_semaphore, #tpu.memory_space<semaphore_mem>>) {add = true}
    %add3A_366 = arith.constant 224 : i32
    %add3A_367 = arith.addi %mul3A_225, %add3A_366 : i32
    %add3A_368 = vector.broadcast %add3A_367 : i32 to vector<16xi32>
    %add3A_369 = arith.addi %add3A_368, %iota3A : vector<16xi32>
    %dma_start3A_370 = arith.constant 224 : i32
    %dma_start3A_371 = arith.constant 0 : i32
    %dma_start3A_372 = tpu.memref_slice %arg9[%dma_start3A_370, %dma_start3A_371] : memref<320x128xf32, #tpu.memory_space<vmem>> -> memref<16x128xf32, #tpu.memory_space<vmem>>
    %dma_start3A_373 = arith.constant 0 : i32
    %dma_start3A_374 = arith.constant 0 : i32
    %dma_start3A_375 = tpu.memref_slice %arg12[%dma_start3A_373, %dma_start3A_374] : memref<1280x128xf32, #tpu.memory_space<vmem_shared>> -> memref<1280x128xf32, #tpu.memory_space<vmem_shared>>
    tpu.enqueue_indirect_dma source(%dma_start3A_372 : memref<16x128xf32, #tpu.memory_space<vmem>>) target(%dma_start3A_375 : memref<1280x128xf32, #tpu.memory_space<vmem_shared>>) offsets(%add3A_369 : vector<16xi32>) semaphore(%arg17 : memref<!tpu.dma_semaphore, #tpu.memory_space<semaphore_mem>>) {add = true}
    %add3A_376 = arith.constant 240 : i32
    %add3A_377 = arith.addi %mul3A_225, %add3A_376 : i32
    %add3A_378 = vector.broadcast %add3A_377 : i32 to vector<16xi32>
    %add3A_379 = arith.addi %add3A_378, %iota3A : vector<16xi32>
    %dma_start3A_380 = arith.constant 240 : i32
    %dma_start3A_381 = arith.constant 0 : i32
    %dma_start3A_382 = tpu.memref_slice %arg9[%dma_start3A_380, %dma_start3A_381] : memref<320x128xf32, #tpu.memory_space<vmem>> -> memref<16x128xf32, #tpu.memory_space<vmem>>
    %dma_start3A_383 = arith.constant 0 : i32
    %dma_start3A_384 = arith.constant 0 : i32
    %dma_start3A_385 = tpu.memref_slice %arg12[%dma_start3A_383, %dma_start3A_384] : memref<1280x128xf32, #tpu.memory_space<vmem_shared>> -> memref<1280x128xf32, #tpu.memory_space<vmem_shared>>
    tpu.enqueue_indirect_dma source(%dma_start3A_382 : memref<16x128xf32, #tpu.memory_space<vmem>>) target(%dma_start3A_385 : memref<1280x128xf32, #tpu.memory_space<vmem_shared>>) offsets(%add3A_379 : vector<16xi32>) semaphore(%arg17 : memref<!tpu.dma_semaphore, #tpu.memory_space<semaphore_mem>>) {add = true}
    %add3A_386 = arith.constant 256 : i32
    %add3A_387 = arith.addi %mul3A_225, %add3A_386 : i32
    %add3A_388 = vector.broadcast %add3A_387 : i32 to vector<16xi32>
    %add3A_389 = arith.addi %add3A_388, %iota3A : vector<16xi32>
    %dma_start3A_390 = arith.constant 256 : i32
    %dma_start3A_391 = arith.constant 0 : i32
    %dma_start3A_392 = tpu.memref_slice %arg9[%dma_start3A_390, %dma_start3A_391] : memref<320x128xf32, #tpu.memory_space<vmem>> -> memref<16x128xf32, #tpu.memory_space<vmem>>
    %dma_start3A_393 = arith.constant 0 : i32
    %dma_start3A_394 = arith.constant 0 : i32
    %dma_start3A_395 = tpu.memref_slice %arg12[%dma_start3A_393, %dma_start3A_394] : memref<1280x128xf32, #tpu.memory_space<vmem_shared>> -> memref<1280x128xf32, #tpu.memory_space<vmem_shared>>
    tpu.enqueue_indirect_dma source(%dma_start3A_392 : memref<16x128xf32, #tpu.memory_space<vmem>>) target(%dma_start3A_395 : memref<1280x128xf32, #tpu.memory_space<vmem_shared>>) offsets(%add3A_389 : vector<16xi32>) semaphore(%arg17 : memref<!tpu.dma_semaphore, #tpu.memory_space<semaphore_mem>>) {add = true}
    %add3A_396 = arith.constant 272 : i32
    %add3A_397 = arith.addi %mul3A_225, %add3A_396 : i32
    %add3A_398 = vector.broadcast %add3A_397 : i32 to vector<16xi32>
    %add3A_399 = arith.addi %add3A_398, %iota3A : vector<16xi32>
    %dma_start3A_400 = arith.constant 272 : i32
    %dma_start3A_401 = arith.constant 0 : i32
    %dma_start3A_402 = tpu.memref_slice %arg9[%dma_start3A_400, %dma_start3A_401] : memref<320x128xf32, #tpu.memory_space<vmem>> -> memref<16x128xf32, #tpu.memory_space<vmem>>
    %dma_start3A_403 = arith.constant 0 : i32
    %dma_start3A_404 = arith.constant 0 : i32
    %dma_start3A_405 = tpu.memref_slice %arg12[%dma_start3A_403, %dma_start3A_404] : memref<1280x128xf32, #tpu.memory_space<vmem_shared>> -> memref<1280x128xf32, #tpu.memory_space<vmem_shared>>
    tpu.enqueue_indirect_dma source(%dma_start3A_402 : memref<16x128xf32, #tpu.memory_space<vmem>>) target(%dma_start3A_405 : memref<1280x128xf32, #tpu.memory_space<vmem_shared>>) offsets(%add3A_399 : vector<16xi32>) semaphore(%arg17 : memref<!tpu.dma_semaphore, #tpu.memory_space<semaphore_mem>>) {add = true}
    %add3A_406 = arith.constant 288 : i32
    %add3A_407 = arith.addi %mul3A_225, %add3A_406 : i32
    %add3A_408 = vector.broadcast %add3A_407 : i32 to vector<16xi32>
    %add3A_409 = arith.addi %add3A_408, %iota3A : vector<16xi32>
    %dma_start3A_410 = arith.constant 288 : i32
    %dma_start3A_411 = arith.constant 0 : i32
    %dma_start3A_412 = tpu.memref_slice %arg9[%dma_start3A_410, %dma_start3A_411] : memref<320x128xf32, #tpu.memory_space<vmem>> -> memref<16x128xf32, #tpu.memory_space<vmem>>
    %dma_start3A_413 = arith.constant 0 : i32
    %dma_start3A_414 = arith.constant 0 : i32
    %dma_start3A_415 = tpu.memref_slice %arg12[%dma_start3A_413, %dma_start3A_414] : memref<1280x128xf32, #tpu.memory_space<vmem_shared>> -> memref<1280x128xf32, #tpu.memory_space<vmem_shared>>
    tpu.enqueue_indirect_dma source(%dma_start3A_412 : memref<16x128xf32, #tpu.memory_space<vmem>>) target(%dma_start3A_415 : memref<1280x128xf32, #tpu.memory_space<vmem_shared>>) offsets(%add3A_409 : vector<16xi32>) semaphore(%arg17 : memref<!tpu.dma_semaphore, #tpu.memory_space<semaphore_mem>>) {add = true}
    %add3A_416 = arith.constant 304 : i32
    %add3A_417 = arith.addi %mul3A_225, %add3A_416 : i32
    %add3A_418 = vector.broadcast %add3A_417 : i32 to vector<16xi32>
    %add3A_419 = arith.addi %add3A_418, %iota3A : vector<16xi32>
    %dma_start3A_420 = arith.constant 304 : i32
    %dma_start3A_421 = arith.constant 0 : i32
    %dma_start3A_422 = tpu.memref_slice %arg9[%dma_start3A_420, %dma_start3A_421] : memref<320x128xf32, #tpu.memory_space<vmem>> -> memref<16x128xf32, #tpu.memory_space<vmem>>
    %dma_start3A_423 = arith.constant 0 : i32
    %dma_start3A_424 = arith.constant 0 : i32
    %dma_start3A_425 = tpu.memref_slice %arg12[%dma_start3A_423, %dma_start3A_424] : memref<1280x128xf32, #tpu.memory_space<vmem_shared>> -> memref<1280x128xf32, #tpu.memory_space<vmem_shared>>
    tpu.enqueue_indirect_dma source(%dma_start3A_422 : memref<16x128xf32, #tpu.memory_space<vmem>>) target(%dma_start3A_425 : memref<1280x128xf32, #tpu.memory_space<vmem_shared>>) offsets(%add3A_419 : vector<16xi32>) semaphore(%arg17 : memref<!tpu.dma_semaphore, #tpu.memory_space<semaphore_mem>>) {add = true}
    %dma_wait3A_426 = arith.constant 0 : i32
    %dma_wait3A_427 = arith.constant 0 : i32
    %dma_wait3A_428 = tpu.memref_slice %arg9[%dma_wait3A_426, %dma_wait3A_427] : memref<320x128xf32, #tpu.memory_space<vmem>> -> memref<16x128xf32, #tpu.memory_space<vmem>>
    %dma_wait3A_429 = arith.constant 0 : i32
    %dma_wait3A_430 = arith.constant 0 : i32
    %dma_wait3A_431 = tpu.memref_slice %arg12[%dma_wait3A_429, %dma_wait3A_430] : memref<1280x128xf32, #tpu.memory_space<vmem_shared>> -> memref<1280x128xf32, #tpu.memory_space<vmem_shared>>
    tpu.wait_indirect_dma semaphore(%arg17 : memref<!tpu.dma_semaphore, #tpu.memory_space<semaphore_mem>>) src(%dma_wait3A_428 : memref<16x128xf32, #tpu.memory_space<vmem>>) dst(%dma_wait3A_431 : memref<1280x128xf32, #tpu.memory_space<vmem_shared>>)
    %dma_wait3A_432 = arith.constant 16 : i32
    %dma_wait3A_433 = arith.constant 0 : i32
    %dma_wait3A_434 = tpu.memref_slice %arg9[%dma_wait3A_432, %dma_wait3A_433] : memref<320x128xf32, #tpu.memory_space<vmem>> -> memref<16x128xf32, #tpu.memory_space<vmem>>
    %dma_wait3A_435 = arith.constant 0 : i32
    %dma_wait3A_436 = arith.constant 0 : i32
    %dma_wait3A_437 = tpu.memref_slice %arg12[%dma_wait3A_435, %dma_wait3A_436] : memref<1280x128xf32, #tpu.memory_space<vmem_shared>> -> memref<1280x128xf32, #tpu.memory_space<vmem_shared>>
    tpu.wait_indirect_dma semaphore(%arg17 : memref<!tpu.dma_semaphore, #tpu.memory_space<semaphore_mem>>) src(%dma_wait3A_434 : memref<16x128xf32, #tpu.memory_space<vmem>>) dst(%dma_wait3A_437 : memref<1280x128xf32, #tpu.memory_space<vmem_shared>>)
    %dma_wait3A_438 = arith.constant 32 : i32
    %dma_wait3A_439 = arith.constant 0 : i32
    %dma_wait3A_440 = tpu.memref_slice %arg9[%dma_wait3A_438, %dma_wait3A_439] : memref<320x128xf32, #tpu.memory_space<vmem>> -> memref<16x128xf32, #tpu.memory_space<vmem>>
    %dma_wait3A_441 = arith.constant 0 : i32
    %dma_wait3A_442 = arith.constant 0 : i32
    %dma_wait3A_443 = tpu.memref_slice %arg12[%dma_wait3A_441, %dma_wait3A_442] : memref<1280x128xf32, #tpu.memory_space<vmem_shared>> -> memref<1280x128xf32, #tpu.memory_space<vmem_shared>>
    tpu.wait_indirect_dma semaphore(%arg17 : memref<!tpu.dma_semaphore, #tpu.memory_space<semaphore_mem>>) src(%dma_wait3A_440 : memref<16x128xf32, #tpu.memory_space<vmem>>) dst(%dma_wait3A_443 : memref<1280x128xf32, #tpu.memory_space<vmem_shared>>)
    %dma_wait3A_444 = arith.constant 48 : i32
    %dma_wait3A_445 = arith.constant 0 : i32
    %dma_wait3A_446 = tpu.memref_slice %arg9[%dma_wait3A_444, %dma_wait3A_445] : memref<320x128xf32, #tpu.memory_space<vmem>> -> memref<16x128xf32, #tpu.memory_space<vmem>>
    %dma_wait3A_447 = arith.constant 0 : i32
    %dma_wait3A_448 = arith.constant 0 : i32
    %dma_wait3A_449 = tpu.memref_slice %arg12[%dma_wait3A_447, %dma_wait3A_448] : memref<1280x128xf32, #tpu.memory_space<vmem_shared>> -> memref<1280x128xf32, #tpu.memory_space<vmem_shared>>
    tpu.wait_indirect_dma semaphore(%arg17 : memref<!tpu.dma_semaphore, #tpu.memory_space<semaphore_mem>>) src(%dma_wait3A_446 : memref<16x128xf32, #tpu.memory_space<vmem>>) dst(%dma_wait3A_449 : memref<1280x128xf32, #tpu.memory_space<vmem_shared>>)
    %dma_wait3A_450 = arith.constant 64 : i32
    %dma_wait3A_451 = arith.constant 0 : i32
    %dma_wait3A_452 = tpu.memref_slice %arg9[%dma_wait3A_450, %dma_wait3A_451] : memref<320x128xf32, #tpu.memory_space<vmem>> -> memref<16x128xf32, #tpu.memory_space<vmem>>
    %dma_wait3A_453 = arith.constant 0 : i32
    %dma_wait3A_454 = arith.constant 0 : i32
    %dma_wait3A_455 = tpu.memref_slice %arg12[%dma_wait3A_453, %dma_wait3A_454] : memref<1280x128xf32, #tpu.memory_space<vmem_shared>> -> memref<1280x128xf32, #tpu.memory_space<vmem_shared>>
    tpu.wait_indirect_dma semaphore(%arg17 : memref<!tpu.dma_semaphore, #tpu.memory_space<semaphore_mem>>) src(%dma_wait3A_452 : memref<16x128xf32, #tpu.memory_space<vmem>>) dst(%dma_wait3A_455 : memref<1280x128xf32, #tpu.memory_space<vmem_shared>>)
    %dma_wait3A_456 = arith.constant 80 : i32
    %dma_wait3A_457 = arith.constant 0 : i32
    %dma_wait3A_458 = tpu.memref_slice %arg9[%dma_wait3A_456, %dma_wait3A_457] : memref<320x128xf32, #tpu.memory_space<vmem>> -> memref<16x128xf32, #tpu.memory_space<vmem>>
    %dma_wait3A_459 = arith.constant 0 : i32
    %dma_wait3A_460 = arith.constant 0 : i32
    %dma_wait3A_461 = tpu.memref_slice %arg12[%dma_wait3A_459, %dma_wait3A_460] : memref<1280x128xf32, #tpu.memory_space<vmem_shared>> -> memref<1280x128xf32, #tpu.memory_space<vmem_shared>>
    tpu.wait_indirect_dma semaphore(%arg17 : memref<!tpu.dma_semaphore, #tpu.memory_space<semaphore_mem>>) src(%dma_wait3A_458 : memref<16x128xf32, #tpu.memory_space<vmem>>) dst(%dma_wait3A_461 : memref<1280x128xf32, #tpu.memory_space<vmem_shared>>)
    %dma_wait3A_462 = arith.constant 96 : i32
    %dma_wait3A_463 = arith.constant 0 : i32
    %dma_wait3A_464 = tpu.memref_slice %arg9[%dma_wait3A_462, %dma_wait3A_463] : memref<320x128xf32, #tpu.memory_space<vmem>> -> memref<16x128xf32, #tpu.memory_space<vmem>>
    %dma_wait3A_465 = arith.constant 0 : i32
    %dma_wait3A_466 = arith.constant 0 : i32
    %dma_wait3A_467 = tpu.memref_slice %arg12[%dma_wait3A_465, %dma_wait3A_466] : memref<1280x128xf32, #tpu.memory_space<vmem_shared>> -> memref<1280x128xf32, #tpu.memory_space<vmem_shared>>
    tpu.wait_indirect_dma semaphore(%arg17 : memref<!tpu.dma_semaphore, #tpu.memory_space<semaphore_mem>>) src(%dma_wait3A_464 : memref<16x128xf32, #tpu.memory_space<vmem>>) dst(%dma_wait3A_467 : memref<1280x128xf32, #tpu.memory_space<vmem_shared>>)
    %dma_wait3A_468 = arith.constant 112 : i32
    %dma_wait3A_469 = arith.constant 0 : i32
    %dma_wait3A_470 = tpu.memref_slice %arg9[%dma_wait3A_468, %dma_wait3A_469] : memref<320x128xf32, #tpu.memory_space<vmem>> -> memref<16x128xf32, #tpu.memory_space<vmem>>
    %dma_wait3A_471 = arith.constant 0 : i32
    %dma_wait3A_472 = arith.constant 0 : i32
    %dma_wait3A_473 = tpu.memref_slice %arg12[%dma_wait3A_471, %dma_wait3A_472] : memref<1280x128xf32, #tpu.memory_space<vmem_shared>> -> memref<1280x128xf32, #tpu.memory_space<vmem_shared>>
    tpu.wait_indirect_dma semaphore(%arg17 : memref<!tpu.dma_semaphore, #tpu.memory_space<semaphore_mem>>) src(%dma_wait3A_470 : memref<16x128xf32, #tpu.memory_space<vmem>>) dst(%dma_wait3A_473 : memref<1280x128xf32, #tpu.memory_space<vmem_shared>>)
    %dma_wait3A_474 = arith.constant 128 : i32
    %dma_wait3A_475 = arith.constant 0 : i32
    %dma_wait3A_476 = tpu.memref_slice %arg9[%dma_wait3A_474, %dma_wait3A_475] : memref<320x128xf32, #tpu.memory_space<vmem>> -> memref<16x128xf32, #tpu.memory_space<vmem>>
    %dma_wait3A_477 = arith.constant 0 : i32
    %dma_wait3A_478 = arith.constant 0 : i32
    %dma_wait3A_479 = tpu.memref_slice %arg12[%dma_wait3A_477, %dma_wait3A_478] : memref<1280x128xf32, #tpu.memory_space<vmem_shared>> -> memref<1280x128xf32, #tpu.memory_space<vmem_shared>>
    tpu.wait_indirect_dma semaphore(%arg17 : memref<!tpu.dma_semaphore, #tpu.memory_space<semaphore_mem>>) src(%dma_wait3A_476 : memref<16x128xf32, #tpu.memory_space<vmem>>) dst(%dma_wait3A_479 : memref<1280x128xf32, #tpu.memory_space<vmem_shared>>)
    %dma_wait3A_480 = arith.constant 144 : i32
    %dma_wait3A_481 = arith.constant 0 : i32
    %dma_wait3A_482 = tpu.memref_slice %arg9[%dma_wait3A_480, %dma_wait3A_481] : memref<320x128xf32, #tpu.memory_space<vmem>> -> memref<16x128xf32, #tpu.memory_space<vmem>>
    %dma_wait3A_483 = arith.constant 0 : i32
    %dma_wait3A_484 = arith.constant 0 : i32
    %dma_wait3A_485 = tpu.memref_slice %arg12[%dma_wait3A_483, %dma_wait3A_484] : memref<1280x128xf32, #tpu.memory_space<vmem_shared>> -> memref<1280x128xf32, #tpu.memory_space<vmem_shared>>
    tpu.wait_indirect_dma semaphore(%arg17 : memref<!tpu.dma_semaphore, #tpu.memory_space<semaphore_mem>>) src(%dma_wait3A_482 : memref<16x128xf32, #tpu.memory_space<vmem>>) dst(%dma_wait3A_485 : memref<1280x128xf32, #tpu.memory_space<vmem_shared>>)
    %dma_wait3A_486 = arith.constant 160 : i32
    %dma_wait3A_487 = arith.constant 0 : i32
    %dma_wait3A_488 = tpu.memref_slice %arg9[%dma_wait3A_486, %dma_wait3A_487] : memref<320x128xf32, #tpu.memory_space<vmem>> -> memref<16x128xf32, #tpu.memory_space<vmem>>
    %dma_wait3A_489 = arith.constant 0 : i32
    %dma_wait3A_490 = arith.constant 0 : i32
    %dma_wait3A_491 = tpu.memref_slice %arg12[%dma_wait3A_489, %dma_wait3A_490] : memref<1280x128xf32, #tpu.memory_space<vmem_shared>> -> memref<1280x128xf32, #tpu.memory_space<vmem_shared>>
    tpu.wait_indirect_dma semaphore(%arg17 : memref<!tpu.dma_semaphore, #tpu.memory_space<semaphore_mem>>) src(%dma_wait3A_488 : memref<16x128xf32, #tpu.memory_space<vmem>>) dst(%dma_wait3A_491 : memref<1280x128xf32, #tpu.memory_space<vmem_shared>>)
    %dma_wait3A_492 = arith.constant 176 : i32
    %dma_wait3A_493 = arith.constant 0 : i32
    %dma_wait3A_494 = tpu.memref_slice %arg9[%dma_wait3A_492, %dma_wait3A_493] : memref<320x128xf32, #tpu.memory_space<vmem>> -> memref<16x128xf32, #tpu.memory_space<vmem>>
    %dma_wait3A_495 = arith.constant 0 : i32
    %dma_wait3A_496 = arith.constant 0 : i32
    %dma_wait3A_497 = tpu.memref_slice %arg12[%dma_wait3A_495, %dma_wait3A_496] : memref<1280x128xf32, #tpu.memory_space<vmem_shared>> -> memref<1280x128xf32, #tpu.memory_space<vmem_shared>>
    tpu.wait_indirect_dma semaphore(%arg17 : memref<!tpu.dma_semaphore, #tpu.memory_space<semaphore_mem>>) src(%dma_wait3A_494 : memref<16x128xf32, #tpu.memory_space<vmem>>) dst(%dma_wait3A_497 : memref<1280x128xf32, #tpu.memory_space<vmem_shared>>)
    %dma_wait3A_498 = arith.constant 192 : i32
    %dma_wait3A_499 = arith.constant 0 : i32
    %dma_wait3A_500 = tpu.memref_slice %arg9[%dma_wait3A_498, %dma_wait3A_499] : memref<320x128xf32, #tpu.memory_space<vmem>> -> memref<16x128xf32, #tpu.memory_space<vmem>>
    %dma_wait3A_501 = arith.constant 0 : i32
    %dma_wait3A_502 = arith.constant 0 : i32
    %dma_wait3A_503 = tpu.memref_slice %arg12[%dma_wait3A_501, %dma_wait3A_502] : memref<1280x128xf32, #tpu.memory_space<vmem_shared>> -> memref<1280x128xf32, #tpu.memory_space<vmem_shared>>
    tpu.wait_indirect_dma semaphore(%arg17 : memref<!tpu.dma_semaphore, #tpu.memory_space<semaphore_mem>>) src(%dma_wait3A_500 : memref<16x128xf32, #tpu.memory_space<vmem>>) dst(%dma_wait3A_503 : memref<1280x128xf32, #tpu.memory_space<vmem_shared>>)
    %dma_wait3A_504 = arith.constant 208 : i32
    %dma_wait3A_505 = arith.constant 0 : i32
    %dma_wait3A_506 = tpu.memref_slice %arg9[%dma_wait3A_504, %dma_wait3A_505] : memref<320x128xf32, #tpu.memory_space<vmem>> -> memref<16x128xf32, #tpu.memory_space<vmem>>
    %dma_wait3A_507 = arith.constant 0 : i32
    %dma_wait3A_508 = arith.constant 0 : i32
    %dma_wait3A_509 = tpu.memref_slice %arg12[%dma_wait3A_507, %dma_wait3A_508] : memref<1280x128xf32, #tpu.memory_space<vmem_shared>> -> memref<1280x128xf32, #tpu.memory_space<vmem_shared>>
    tpu.wait_indirect_dma semaphore(%arg17 : memref<!tpu.dma_semaphore, #tpu.memory_space<semaphore_mem>>) src(%dma_wait3A_506 : memref<16x128xf32, #tpu.memory_space<vmem>>) dst(%dma_wait3A_509 : memref<1280x128xf32, #tpu.memory_space<vmem_shared>>)
    %dma_wait3A_510 = arith.constant 224 : i32
    %dma_wait3A_511 = arith.constant 0 : i32
    %dma_wait3A_512 = tpu.memref_slice %arg9[%dma_wait3A_510, %dma_wait3A_511] : memref<320x128xf32, #tpu.memory_space<vmem>> -> memref<16x128xf32, #tpu.memory_space<vmem>>
    %dma_wait3A_513 = arith.constant 0 : i32
    %dma_wait3A_514 = arith.constant 0 : i32
    %dma_wait3A_515 = tpu.memref_slice %arg12[%dma_wait3A_513, %dma_wait3A_514] : memref<1280x128xf32, #tpu.memory_space<vmem_shared>> -> memref<1280x128xf32, #tpu.memory_space<vmem_shared>>
    tpu.wait_indirect_dma semaphore(%arg17 : memref<!tpu.dma_semaphore, #tpu.memory_space<semaphore_mem>>) src(%dma_wait3A_512 : memref<16x128xf32, #tpu.memory_space<vmem>>) dst(%dma_wait3A_515 : memref<1280x128xf32, #tpu.memory_space<vmem_shared>>)
    %dma_wait3A_516 = arith.constant 240 : i32
    %dma_wait3A_517 = arith.constant 0 : i32
    %dma_wait3A_518 = tpu.memref_slice %arg9[%dma_wait3A_516, %dma_wait3A_517] : memref<320x128xf32, #tpu.memory_space<vmem>> -> memref<16x128xf32, #tpu.memory_space<vmem>>
    %dma_wait3A_519 = arith.constant 0 : i32
    %dma_wait3A_520 = arith.constant 0 : i32
    %dma_wait3A_521 = tpu.memref_slice %arg12[%dma_wait3A_519, %dma_wait3A_520] : memref<1280x128xf32, #tpu.memory_space<vmem_shared>> -> memref<1280x128xf32, #tpu.memory_space<vmem_shared>>
    tpu.wait_indirect_dma semaphore(%arg17 : memref<!tpu.dma_semaphore, #tpu.memory_space<semaphore_mem>>) src(%dma_wait3A_518 : memref<16x128xf32, #tpu.memory_space<vmem>>) dst(%dma_wait3A_521 : memref<1280x128xf32, #tpu.memory_space<vmem_shared>>)
    %dma_wait3A_522 = arith.constant 256 : i32
    %dma_wait3A_523 = arith.constant 0 : i32
    %dma_wait3A_524 = tpu.memref_slice %arg9[%dma_wait3A_522, %dma_wait3A_523] : memref<320x128xf32, #tpu.memory_space<vmem>> -> memref<16x128xf32, #tpu.memory_space<vmem>>
    %dma_wait3A_525 = arith.constant 0 : i32
    %dma_wait3A_526 = arith.constant 0 : i32
    %dma_wait3A_527 = tpu.memref_slice %arg12[%dma_wait3A_525, %dma_wait3A_526] : memref<1280x128xf32, #tpu.memory_space<vmem_shared>> -> memref<1280x128xf32, #tpu.memory_space<vmem_shared>>
    tpu.wait_indirect_dma semaphore(%arg17 : memref<!tpu.dma_semaphore, #tpu.memory_space<semaphore_mem>>) src(%dma_wait3A_524 : memref<16x128xf32, #tpu.memory_space<vmem>>) dst(%dma_wait3A_527 : memref<1280x128xf32, #tpu.memory_space<vmem_shared>>)
    %dma_wait3A_528 = arith.constant 272 : i32
    %dma_wait3A_529 = arith.constant 0 : i32
    %dma_wait3A_530 = tpu.memref_slice %arg9[%dma_wait3A_528, %dma_wait3A_529] : memref<320x128xf32, #tpu.memory_space<vmem>> -> memref<16x128xf32, #tpu.memory_space<vmem>>
    %dma_wait3A_531 = arith.constant 0 : i32
    %dma_wait3A_532 = arith.constant 0 : i32
    %dma_wait3A_533 = tpu.memref_slice %arg12[%dma_wait3A_531, %dma_wait3A_532] : memref<1280x128xf32, #tpu.memory_space<vmem_shared>> -> memref<1280x128xf32, #tpu.memory_space<vmem_shared>>
    tpu.wait_indirect_dma semaphore(%arg17 : memref<!tpu.dma_semaphore, #tpu.memory_space<semaphore_mem>>) src(%dma_wait3A_530 : memref<16x128xf32, #tpu.memory_space<vmem>>) dst(%dma_wait3A_533 : memref<1280x128xf32, #tpu.memory_space<vmem_shared>>)
    %dma_wait3A_534 = arith.constant 288 : i32
    %dma_wait3A_535 = arith.constant 0 : i32
    %dma_wait3A_536 = tpu.memref_slice %arg9[%dma_wait3A_534, %dma_wait3A_535] : memref<320x128xf32, #tpu.memory_space<vmem>> -> memref<16x128xf32, #tpu.memory_space<vmem>>
    %dma_wait3A_537 = arith.constant 0 : i32
    %dma_wait3A_538 = arith.constant 0 : i32
    %dma_wait3A_539 = tpu.memref_slice %arg12[%dma_wait3A_537, %dma_wait3A_538] : memref<1280x128xf32, #tpu.memory_space<vmem_shared>> -> memref<1280x128xf32, #tpu.memory_space<vmem_shared>>
    tpu.wait_indirect_dma semaphore(%arg17 : memref<!tpu.dma_semaphore, #tpu.memory_space<semaphore_mem>>) src(%dma_wait3A_536 : memref<16x128xf32, #tpu.memory_space<vmem>>) dst(%dma_wait3A_539 : memref<1280x128xf32, #tpu.memory_space<vmem_shared>>)
    %dma_wait3A_540 = arith.constant 304 : i32
    %dma_wait3A_541 = arith.constant 0 : i32
    %dma_wait3A_542 = tpu.memref_slice %arg9[%dma_wait3A_540, %dma_wait3A_541] : memref<320x128xf32, #tpu.memory_space<vmem>> -> memref<16x128xf32, #tpu.memory_space<vmem>>
    %dma_wait3A_543 = arith.constant 0 : i32
    %dma_wait3A_544 = arith.constant 0 : i32
    %dma_wait3A_545 = tpu.memref_slice %arg12[%dma_wait3A_543, %dma_wait3A_544] : memref<1280x128xf32, #tpu.memory_space<vmem_shared>> -> memref<1280x128xf32, #tpu.memory_space<vmem_shared>>
    tpu.wait_indirect_dma semaphore(%arg17 : memref<!tpu.dma_semaphore, #tpu.memory_space<semaphore_mem>>) src(%dma_wait3A_542 : memref<16x128xf32, #tpu.memory_space<vmem>>) dst(%dma_wait3A_545 : memref<1280x128xf32, #tpu.memory_space<vmem_shared>>)
    %barrier3A_546 = arith.constant 0 : index
    tpu.barrier barrier_id(%barrier3A_546)
    %add3A_547 = arith.constant 0 : i32
    %add3A_548 = arith.addi %mul3A_225, %add3A_547 : i32
    %mul3A_549 = arith.constant 20 : i32
    %mul3A_550 = arith.muli %select_n3A_30, %mul3A_549 : i32
    %add3A_551 = arith.addi %add3A_548, %mul3A_550 : i32
    %dma_start3A_552 = arith.constant 0 : i32
    %dma_start3A_553 = arith.constant 0 : i32
    %dma_start3A_554 = tpu.memref_slice %arg10[%dma_start3A_552, %dma_start3A_553] : memref<80x128xf32, #tpu.memory_space<vmem>> -> memref<20x128xf32, #tpu.memory_space<vmem>>
    %dma_start3A_555 = arith.constant 0 : i32
    %dma_start3A_556 = tpu.memref_slice %arg12[%add3A_551, %dma_start3A_555] : memref<1280x128xf32, #tpu.memory_space<vmem_shared>> -> memref<20x128xf32, #tpu.memory_space<vmem_shared>>
    %dma_start3A_557 = arith.constant 0 : i32
    %dma_start3A_558 = arith.constant 0 : i32
    %dma_start3A_559 = tpu.memref_slice %arg10[%dma_start3A_557, %dma_start3A_558] : memref<80x128xf32, #tpu.memory_space<vmem>> -> memref<20x128xf32, #tpu.memory_space<vmem>>
    %dma_start3A_560 = arith.constant 0 : i32
    %dma_start3A_561 = tpu.memref_slice %arg12[%add3A_551, %dma_start3A_560] : memref<1280x128xf32, #tpu.memory_space<vmem_shared>> -> memref<20x128xf32, #tpu.memory_space<vmem_shared>>
    tpu.enqueue_dma source(%dma_start3A_561 : memref<20x128xf32, #tpu.memory_space<vmem_shared>>) target(%dma_start3A_559 : memref<20x128xf32, #tpu.memory_space<vmem>>) target_semaphore(%arg17 : memref<!tpu.dma_semaphore, #tpu.memory_space<semaphore_mem>>)
    %add3A_562 = arith.constant 80 : i32
    %add3A_563 = arith.addi %mul3A_225, %add3A_562 : i32
    %mul3A_564 = arith.constant 20 : i32
    %mul3A_565 = arith.muli %select_n3A_30, %mul3A_564 : i32
    %add3A_566 = arith.addi %add3A_563, %mul3A_565 : i32
    %dma_start3A_567 = arith.constant 20 : i32
    %dma_start3A_568 = arith.constant 0 : i32
    %dma_start3A_569 = tpu.memref_slice %arg10[%dma_start3A_567, %dma_start3A_568] : memref<80x128xf32, #tpu.memory_space<vmem>> -> memref<20x128xf32, #tpu.memory_space<vmem>>
    %dma_start3A_570 = arith.constant 0 : i32
    %dma_start3A_571 = tpu.memref_slice %arg12[%add3A_566, %dma_start3A_570] : memref<1280x128xf32, #tpu.memory_space<vmem_shared>> -> memref<20x128xf32, #tpu.memory_space<vmem_shared>>
    %dma_start3A_572 = arith.constant 20 : i32
    %dma_start3A_573 = arith.constant 0 : i32
    %dma_start3A_574 = tpu.memref_slice %arg10[%dma_start3A_572, %dma_start3A_573] : memref<80x128xf32, #tpu.memory_space<vmem>> -> memref<20x128xf32, #tpu.memory_space<vmem>>
    %dma_start3A_575 = arith.constant 0 : i32
    %dma_start3A_576 = tpu.memref_slice %arg12[%add3A_566, %dma_start3A_575] : memref<1280x128xf32, #tpu.memory_space<vmem_shared>> -> memref<20x128xf32, #tpu.memory_space<vmem_shared>>
    tpu.enqueue_dma source(%dma_start3A_576 : memref<20x128xf32, #tpu.memory_space<vmem_shared>>) target(%dma_start3A_574 : memref<20x128xf32, #tpu.memory_space<vmem>>) target_semaphore(%arg17 : memref<!tpu.dma_semaphore, #tpu.memory_space<semaphore_mem>>)
    %add3A_577 = arith.constant 160 : i32
    %add3A_578 = arith.addi %mul3A_225, %add3A_577 : i32
    %mul3A_579 = arith.constant 20 : i32
    %mul3A_580 = arith.muli %select_n3A_30, %mul3A_579 : i32
    %add3A_581 = arith.addi %add3A_578, %mul3A_580 : i32
    %dma_start3A_582 = arith.constant 40 : i32
    %dma_start3A_583 = arith.constant 0 : i32
    %dma_start3A_584 = tpu.memref_slice %arg10[%dma_start3A_582, %dma_start3A_583] : memref<80x128xf32, #tpu.memory_space<vmem>> -> memref<20x128xf32, #tpu.memory_space<vmem>>
    %dma_start3A_585 = arith.constant 0 : i32
    %dma_start3A_586 = tpu.memref_slice %arg12[%add3A_581, %dma_start3A_585] : memref<1280x128xf32, #tpu.memory_space<vmem_shared>> -> memref<20x128xf32, #tpu.memory_space<vmem_shared>>
    %dma_start3A_587 = arith.constant 40 : i32
    %dma_start3A_588 = arith.constant 0 : i32
    %dma_start3A_589 = tpu.memref_slice %arg10[%dma_start3A_587, %dma_start3A_588] : memref<80x128xf32, #tpu.memory_space<vmem>> -> memref<20x128xf32, #tpu.memory_space<vmem>>
    %dma_start3A_590 = arith.constant 0 : i32
    %dma_start3A_591 = tpu.memref_slice %arg12[%add3A_581, %dma_start3A_590] : memref<1280x128xf32, #tpu.memory_space<vmem_shared>> -> memref<20x128xf32, #tpu.memory_space<vmem_shared>>
    tpu.enqueue_dma source(%dma_start3A_591 : memref<20x128xf32, #tpu.memory_space<vmem_shared>>) target(%dma_start3A_589 : memref<20x128xf32, #tpu.memory_space<vmem>>) target_semaphore(%arg17 : memref<!tpu.dma_semaphore, #tpu.memory_space<semaphore_mem>>)
    %add3A_592 = arith.constant 240 : i32
    %add3A_593 = arith.addi %mul3A_225, %add3A_592 : i32
    %mul3A_594 = arith.constant 20 : i32
    %mul3A_595 = arith.muli %select_n3A_30, %mul3A_594 : i32
    %add3A_596 = arith.addi %add3A_593, %mul3A_595 : i32
    %dma_start3A_597 = arith.constant 60 : i32
    %dma_start3A_598 = arith.constant 0 : i32
    %dma_start3A_599 = tpu.memref_slice %arg10[%dma_start3A_597, %dma_start3A_598] : memref<80x128xf32, #tpu.memory_space<vmem>> -> memref<20x128xf32, #tpu.memory_space<vmem>>
    %dma_start3A_600 = arith.constant 0 : i32
    %dma_start3A_601 = tpu.memref_slice %arg12[%add3A_596, %dma_start3A_600] : memref<1280x128xf32, #tpu.memory_space<vmem_shared>> -> memref<20x128xf32, #tpu.memory_space<vmem_shared>>
    %dma_start3A_602 = arith.constant 60 : i32
    %dma_start3A_603 = arith.constant 0 : i32
    %dma_start3A_604 = tpu.memref_slice %arg10[%dma_start3A_602, %dma_start3A_603] : memref<80x128xf32, #tpu.memory_space<vmem>> -> memref<20x128xf32, #tpu.memory_space<vmem>>
    %dma_start3A_605 = arith.constant 0 : i32
    %dma_start3A_606 = tpu.memref_slice %arg12[%add3A_596, %dma_start3A_605] : memref<1280x128xf32, #tpu.memory_space<vmem_shared>> -> memref<20x128xf32, #tpu.memory_space<vmem_shared>>
    tpu.enqueue_dma source(%dma_start3A_606 : memref<20x128xf32, #tpu.memory_space<vmem_shared>>) target(%dma_start3A_604 : memref<20x128xf32, #tpu.memory_space<vmem>>) target_semaphore(%arg17 : memref<!tpu.dma_semaphore, #tpu.memory_space<semaphore_mem>>)
    %dma_wait3A_607 = arith.constant 0 : i32
    %dma_wait3A_608 = arith.constant 0 : i32
    %dma_wait3A_609 = tpu.memref_slice %arg10[%dma_wait3A_607, %dma_wait3A_608] : memref<80x128xf32, #tpu.memory_space<vmem>> -> memref<20x128xf32, #tpu.memory_space<vmem>>
    %dma_wait3A_610 = arith.constant 0 : i32
    %dma_wait3A_611 = tpu.memref_slice %arg12[%add3A_551, %dma_wait3A_610] : memref<1280x128xf32, #tpu.memory_space<vmem_shared>> -> memref<20x128xf32, #tpu.memory_space<vmem_shared>>
    %dma_wait3A_612 = arith.constant 0 : i32
    %dma_wait3A_613 = arith.constant 0 : i32
    %dma_wait3A_614 = tpu.memref_slice %arg10[%dma_wait3A_612, %dma_wait3A_613] : memref<80x128xf32, #tpu.memory_space<vmem>> -> memref<20x128xf32, #tpu.memory_space<vmem>>
    %dma_wait3A_615 = arith.constant 0 : i32
    %dma_wait3A_616 = tpu.memref_slice %arg12[%add3A_551, %dma_wait3A_615] : memref<1280x128xf32, #tpu.memory_space<vmem_shared>> -> memref<20x128xf32, #tpu.memory_space<vmem_shared>>
    tpu.wait_dma2 semaphore(%arg17 : memref<!tpu.dma_semaphore, #tpu.memory_space<semaphore_mem>>) src(%dma_wait3A_616 : memref<20x128xf32, #tpu.memory_space<vmem_shared>>) dst(%dma_wait3A_614 : memref<20x128xf32, #tpu.memory_space<vmem>>)
    %dma_wait3A_617 = arith.constant 20 : i32
    %dma_wait3A_618 = arith.constant 0 : i32
    %dma_wait3A_619 = tpu.memref_slice %arg10[%dma_wait3A_617, %dma_wait3A_618] : memref<80x128xf32, #tpu.memory_space<vmem>> -> memref<20x128xf32, #tpu.memory_space<vmem>>
    %dma_wait3A_620 = arith.constant 0 : i32
    %dma_wait3A_621 = tpu.memref_slice %arg12[%add3A_566, %dma_wait3A_620] : memref<1280x128xf32, #tpu.memory_space<vmem_shared>> -> memref<20x128xf32, #tpu.memory_space<vmem_shared>>
    %dma_wait3A_622 = arith.constant 20 : i32
    %dma_wait3A_623 = arith.constant 0 : i32
    %dma_wait3A_624 = tpu.memref_slice %arg10[%dma_wait3A_622, %dma_wait3A_623] : memref<80x128xf32, #tpu.memory_space<vmem>> -> memref<20x128xf32, #tpu.memory_space<vmem>>
    %dma_wait3A_625 = arith.constant 0 : i32
    %dma_wait3A_626 = tpu.memref_slice %arg12[%add3A_566, %dma_wait3A_625] : memref<1280x128xf32, #tpu.memory_space<vmem_shared>> -> memref<20x128xf32, #tpu.memory_space<vmem_shared>>
    tpu.wait_dma2 semaphore(%arg17 : memref<!tpu.dma_semaphore, #tpu.memory_space<semaphore_mem>>) src(%dma_wait3A_626 : memref<20x128xf32, #tpu.memory_space<vmem_shared>>) dst(%dma_wait3A_624 : memref<20x128xf32, #tpu.memory_space<vmem>>)
    %dma_wait3A_627 = arith.constant 40 : i32
    %dma_wait3A_628 = arith.constant 0 : i32
    %dma_wait3A_629 = tpu.memref_slice %arg10[%dma_wait3A_627, %dma_wait3A_628] : memref<80x128xf32, #tpu.memory_space<vmem>> -> memref<20x128xf32, #tpu.memory_space<vmem>>
    %dma_wait3A_630 = arith.constant 0 : i32
    %dma_wait3A_631 = tpu.memref_slice %arg12[%add3A_581, %dma_wait3A_630] : memref<1280x128xf32, #tpu.memory_space<vmem_shared>> -> memref<20x128xf32, #tpu.memory_space<vmem_shared>>
    %dma_wait3A_632 = arith.constant 40 : i32
    %dma_wait3A_633 = arith.constant 0 : i32
    %dma_wait3A_634 = tpu.memref_slice %arg10[%dma_wait3A_632, %dma_wait3A_633] : memref<80x128xf32, #tpu.memory_space<vmem>> -> memref<20x128xf32, #tpu.memory_space<vmem>>
    %dma_wait3A_635 = arith.constant 0 : i32
    %dma_wait3A_636 = tpu.memref_slice %arg12[%add3A_581, %dma_wait3A_635] : memref<1280x128xf32, #tpu.memory_space<vmem_shared>> -> memref<20x128xf32, #tpu.memory_space<vmem_shared>>
    tpu.wait_dma2 semaphore(%arg17 : memref<!tpu.dma_semaphore, #tpu.memory_space<semaphore_mem>>) src(%dma_wait3A_636 : memref<20x128xf32, #tpu.memory_space<vmem_shared>>) dst(%dma_wait3A_634 : memref<20x128xf32, #tpu.memory_space<vmem>>)
    %dma_wait3A_637 = arith.constant 60 : i32
    %dma_wait3A_638 = arith.constant 0 : i32
    %dma_wait3A_639 = tpu.memref_slice %arg10[%dma_wait3A_637, %dma_wait3A_638] : memref<80x128xf32, #tpu.memory_space<vmem>> -> memref<20x128xf32, #tpu.memory_space<vmem>>
    %dma_wait3A_640 = arith.constant 0 : i32
    %dma_wait3A_641 = tpu.memref_slice %arg12[%add3A_596, %dma_wait3A_640] : memref<1280x128xf32, #tpu.memory_space<vmem_shared>> -> memref<20x128xf32, #tpu.memory_space<vmem_shared>>
    %dma_wait3A_642 = arith.constant 60 : i32
    %dma_wait3A_643 = arith.constant 0 : i32
    %dma_wait3A_644 = tpu.memref_slice %arg10[%dma_wait3A_642, %dma_wait3A_643] : memref<80x128xf32, #tpu.memory_space<vmem>> -> memref<20x128xf32, #tpu.memory_space<vmem>>
    %dma_wait3A_645 = arith.constant 0 : i32
    %dma_wait3A_646 = tpu.memref_slice %arg12[%add3A_596, %dma_wait3A_645] : memref<1280x128xf32, #tpu.memory_space<vmem_shared>> -> memref<20x128xf32, #tpu.memory_space<vmem_shared>>
    tpu.wait_dma2 semaphore(%arg17 : memref<!tpu.dma_semaphore, #tpu.memory_space<semaphore_mem>>) src(%dma_wait3A_646 : memref<20x128xf32, #tpu.memory_space<vmem_shared>>) dst(%dma_wait3A_644 : memref<20x128xf32, #tpu.memory_space<vmem>>)
    %mul3A_647 = arith.constant 2560 : i32
    %mul3A_648 = arith.muli %select_n3A_30, %mul3A_647 : i32
    %broadcast_in_dim3A_649 = arith.constant 10000 : i32
    %broadcast_in_dim3A_650 = vector.broadcast %broadcast_in_dim3A_649 : i32 to vector<16xi32>
    %parallel_loop3A_651 = arith.constant 0 : i32
    %parallel_loop3A_652 = arith.constant 160 : i32
    %parallel_loop3A_653 = arith.constant 1 : i32
    %parallel_loop3A_654 = scf.for %parallel_loop3A_658 = %parallel_loop3A_651 to %parallel_loop3A_652 step %parallel_loop3A_653 iter_args(%parallel_loop3A_659 = %broadcast_in_dim3A_58) -> (vector<16xf32>)  : i32 {
      %parallel_loop3A_660 = arith.constant 16 : i32
      %parallel_loop3A_661 = arith.muli %parallel_loop3A_658, %parallel_loop3A_660 : i32
      %parallel_loop3A_662 = arith.constant 3 : i32
      %parallel_loop3A_663 = arith.shrsi %parallel_loop3A_658, %parallel_loop3A_662 : i32
      %parallel_loop3A_664 = arith.constant 7 : i32
      %parallel_loop3A_665 = arith.andi %parallel_loop3A_658, %parallel_loop3A_664 : i32
      %parallel_loop3A_666 = arith.constant 16 : i32
      %parallel_loop3A_667 = arith.muli %parallel_loop3A_665, %parallel_loop3A_666 : i32
      %parallel_loop3A_668 = arith.constant 60 : i32
      %parallel_loop3A_669 = arith.addi %parallel_loop3A_668, %parallel_loop3A_663 : i32
      %parallel_loop3A_670 = arith.index_cast %parallel_loop3A_669 : i32 to index
      %parallel_loop3A_671 = arith.index_cast %parallel_loop3A_667 : i32 to index
      %parallel_loop3A_672 = tpu.vector_load %arg10[%parallel_loop3A_670, %parallel_loop3A_671] {strides = array<i32>} : memref<80x128xf32, #tpu.memory_space<vmem>>, vector<16xf32>,
      %parallel_loop3A_673 = arith.maximumf %parallel_loop3A_672, %broadcast_in_dim3A_62 : vector<16xf32>
      %parallel_loop3A_674 = arith.divf %broadcast_in_dim3A_62, %parallel_loop3A_673 : vector<16xf32>
      %parallel_loop3A_675 = arith.constant 0 : i32
      %parallel_loop3A_676 = arith.addi %parallel_loop3A_675, %parallel_loop3A_663 : i32
      %parallel_loop3A_677 = arith.index_cast %parallel_loop3A_676 : i32 to index
      %parallel_loop3A_678 = arith.index_cast %parallel_loop3A_667 : i32 to index
      %parallel_loop3A_679 = tpu.vector_load %arg10[%parallel_loop3A_677, %parallel_loop3A_678] {strides = array<i32>} : memref<80x128xf32, #tpu.memory_space<vmem>>, vector<16xf32>,
      %parallel_loop3A_680 = arith.constant 0 : i32
      %parallel_loop3A_681 = arith.addi %parallel_loop3A_680, %mul3A_648 : i32
      %parallel_loop3A_682 = arith.addi %parallel_loop3A_681, %parallel_loop3A_661 : i32
      %parallel_loop3A_683 = arith.index_cast %parallel_loop3A_682 : i32 to index
      %parallel_loop3A_684 = tpu.vector_load %arg6[%parallel_loop3A_683] {strides = array<i32>} : memref<30592xf32, #tpu.memory_space<vmem>>, vector<16xf32>,
      %parallel_loop3A_685 = arith.mulf %parallel_loop3A_679, %parallel_loop3A_674 : vector<16xf32>
      %parallel_loop3A_686 = arith.subf %parallel_loop3A_685, %parallel_loop3A_684 : vector<16xf32>
      %parallel_loop3A_687 = math.absf %parallel_loop3A_686 : vector<16xf32>
      %parallel_loop3A_688 = arith.addf %broadcast_in_dim3A_58, %parallel_loop3A_687 : vector<16xf32>
      %parallel_loop3A_689 = arith.constant 20 : i32
      %parallel_loop3A_690 = arith.addi %parallel_loop3A_689, %parallel_loop3A_663 : i32
      %parallel_loop3A_691 = arith.index_cast %parallel_loop3A_690 : i32 to index
      %parallel_loop3A_692 = arith.index_cast %parallel_loop3A_667 : i32 to index
      %parallel_loop3A_693 = tpu.vector_load %arg10[%parallel_loop3A_691, %parallel_loop3A_692] {strides = array<i32>} : memref<80x128xf32, #tpu.memory_space<vmem>>, vector<16xf32>,
      %parallel_loop3A_694 = arith.constant 10112 : i32
      %parallel_loop3A_695 = arith.addi %parallel_loop3A_694, %mul3A_648 : i32
      %parallel_loop3A_696 = arith.addi %parallel_loop3A_695, %parallel_loop3A_661 : i32
      %parallel_loop3A_697 = arith.index_cast %parallel_loop3A_696 : i32 to index
      %parallel_loop3A_698 = tpu.vector_load %arg6[%parallel_loop3A_697] {strides = array<i32>} : memref<30592xf32, #tpu.memory_space<vmem>>, vector<16xf32>,
      %parallel_loop3A_699 = arith.mulf %parallel_loop3A_693, %parallel_loop3A_674 : vector<16xf32>
      %parallel_loop3A_700 = arith.subf %parallel_loop3A_699, %parallel_loop3A_698 : vector<16xf32>
      %parallel_loop3A_701 = math.absf %parallel_loop3A_700 : vector<16xf32>
      %parallel_loop3A_702 = arith.addf %parallel_loop3A_688, %parallel_loop3A_701 : vector<16xf32>
      %parallel_loop3A_703 = arith.constant 40 : i32
      %parallel_loop3A_704 = arith.addi %parallel_loop3A_703, %parallel_loop3A_663 : i32
      %parallel_loop3A_705 = arith.index_cast %parallel_loop3A_704 : i32 to index
      %parallel_loop3A_706 = arith.index_cast %parallel_loop3A_667 : i32 to index
      %parallel_loop3A_707 = tpu.vector_load %arg10[%parallel_loop3A_705, %parallel_loop3A_706] {strides = array<i32>} : memref<80x128xf32, #tpu.memory_space<vmem>>, vector<16xf32>,
      %parallel_loop3A_708 = arith.constant 20224 : i32
      %parallel_loop3A_709 = arith.addi %parallel_loop3A_708, %mul3A_648 : i32
      %parallel_loop3A_710 = arith.addi %parallel_loop3A_709, %parallel_loop3A_661 : i32
      %parallel_loop3A_711 = arith.index_cast %parallel_loop3A_710 : i32 to index
      %parallel_loop3A_712 = tpu.vector_load %arg6[%parallel_loop3A_711] {strides = array<i32>} : memref<30592xf32, #tpu.memory_space<vmem>>, vector<16xf32>,
      %parallel_loop3A_713 = arith.mulf %parallel_loop3A_707, %parallel_loop3A_674 : vector<16xf32>
      %parallel_loop3A_714 = arith.subf %parallel_loop3A_713, %parallel_loop3A_712 : vector<16xf32>
      %parallel_loop3A_715 = math.absf %parallel_loop3A_714 : vector<16xf32>
      %parallel_loop3A_716 = arith.addf %parallel_loop3A_702, %parallel_loop3A_715 : vector<16xf32>
      %parallel_loop3A_717 = arith.addi %mul3A_648, %parallel_loop3A_661 : i32
      %parallel_loop3A_718 = vector.broadcast %parallel_loop3A_717 : i32 to vector<16xi32>
      %parallel_loop3A_719 = arith.addi %parallel_loop3A_718, %iota3A : vector<16xi32>
      %parallel_loop3A_720 = arith.cmpi slt, %parallel_loop3A_719, %broadcast_in_dim3A_650 : vector<16xi32>
      %parallel_loop3A_721 = arith.select %parallel_loop3A_720, %parallel_loop3A_716, %broadcast_in_dim3A_58 : vector<16xi1>, vector<16xf32>
      %parallel_loop3A_722 = arith.addf %parallel_loop3A_659, %parallel_loop3A_721 : vector<16xf32>
      scf.yield %parallel_loop3A_722 : vector<16xf32>
    } {sc.loop_unroll_factor = 2 : i64, sc.parallel_access}
    %swap3A = arith.constant 0 : index
    %swap3A_655 = tpu.vector_load %arg11[%swap3A] {strides = array<i32>} : memref<16xf32, #tpu.memory_space<vmem>>, vector<16xf32>,
    tpu.vector_store %arg11[%swap3A], %parallel_loop3A_654 {strides = array<i32>} : memref<16xf32, #tpu.memory_space<vmem>>, vector<16xf32>,
    %mul3A_656 = arith.constant 16 : i32
    %mul3A_657 = arith.muli %add3A_33, %mul3A_656 : i32
    "tpu.region"() ({
      %run_scoped3A = tpu.sem_alloc : memref<!tpu.dma_semaphore, #tpu.memory_space<semaphore_mem>>
      %dma_start3A_658 = tpu.memref_slice %arg5[%mul3A_657] : memref<512xf32, #tpu.memory_space<hbm>> -> memref<16xf32, #tpu.memory_space<hbm>>
      %dma_start3A_659 = tpu.memref_slice %arg5[%mul3A_657] : memref<512xf32, #tpu.memory_space<hbm>> -> memref<16xf32, #tpu.memory_space<hbm>>
      tpu.enqueue_dma source(%arg11 : memref<16xf32, #tpu.memory_space<vmem>>) target(%dma_start3A_659 : memref<16xf32, #tpu.memory_space<hbm>>) target_semaphore(%run_scoped3A : memref<!tpu.dma_semaphore, #tpu.memory_space<semaphore_mem>>)
      %dma_wait3A_660 = tpu.memref_slice %arg5[%mul3A_657] : memref<512xf32, #tpu.memory_space<hbm>> -> memref<16xf32, #tpu.memory_space<hbm>>
      %dma_wait3A_661 = tpu.memref_slice %arg5[%mul3A_657] : memref<512xf32, #tpu.memory_space<hbm>> -> memref<16xf32, #tpu.memory_space<hbm>>
      tpu.wait_dma2 semaphore(%run_scoped3A : memref<!tpu.dma_semaphore, #tpu.memory_space<semaphore_mem>>) src(%arg11 : memref<16xf32, #tpu.memory_space<vmem>>) dst(%dma_wait3A_661 : memref<16xf32, #tpu.memory_space<hbm>>)
      tpu.yield
    }) : () -> ()
    return
  }
}

</mosaic_0001>

<sc_bundles>
// kernel: kernel.3.cloned.1.call-start
scs
__scs_entry_jumppad:
0x0: {  	(pc) =	sbr.rel $0x88, $3  }
0x1: {  	(tag) =	ssettag $0x0;
	lr =	simm.s32 $0x1  }
0x2: {  	[smem:$0x3F9E] =	sst lr;
	_ =	strace $0xD0000000  }
0x3: {  	_ = 	snop  }
0x4: {  	_ = 	snop  }
0x5: {  	_ = 	snop  }
0x6: {  	_ = 	snop  }
0x7: {  	_ = 	snop  }
__scs_overlays_trampoline_lowered:
0x8: {  	[smem:$0x3FAD] =	sst s0  }
0x9: {  	[smem:$0x3FAE] =	sst s1  }
0xa: {  	[smem:$0x3FAF] =	sst s2  }
0xb: {  	[smem:$0x3FB0] =	sst s3  }
0xc: {  	[smem:$0x3FB1] =	sst s4  }
0xd: {  	[smem:$0x3FB2] =	sst s5  }
0xe: {  	[smem:$0x3FB3] =	sst s6  }
0xf: {  	[smem:$0x3FB4] =	sst s7  }
0x10: {  	[smem:$0x3FB5] =	sst s8  }
0x11: {  	[smem:$0x3FB6] =	sst s9;
	s0 =	simm.s32 @!p0 $0x0  }
0x12: {  	s1 =	sld [smem:$0x3F9C];
	s0 =	simm.s32 @p0 $0x1  }
0x13: {  	[smem:$0x3FB7] =	sst s0;
	s0 =	simm.s32 @!p1 $0x0  }
0x14: {  	s2 =	sld [smem:$0x3F9B];
	s0 =	simm.s32 @p1 $0x1  }
0x15: {  	[smem:$0x3FB8] =	sst s0;
	s0 =	simm.s32 @!p2 $0x0  }
0x16: {  	s3 =	sld [smem:$0x3FDB];
	s0 =	simm.s32 @p2 $0x1  }
0x17: {  	s4 =	simm.s32 $0x1BF5;
	[smem:$0x3FBA] =	sst s0  }
0x18: {  	s0 =	sld [smem:$0x3F9D];
	_ =	swait.ge [sflag:s4], $0x0  }
0x19: {  	s7 =	sld [smem:$0x3F9E]  }
0x1a: {  	s8 =	sadd.s32 $0xFFFFE003, lr  }
0x1b: {  	s9 =	sadd.s32 $0xFFFFFEF7, lr;
	s5 =	simm.s32 $0xFFFFFFFF;
	p2 =	slt.u32 s8, $0xFFFFF086  }
0x1c: {  	p1 =	slt.u32 s9, $0xF7A;
	s5 =	simm.s32 @!p2 $0x0  }
0x1d: {  	s5 =	simm.s32 @p1 $0x1;
	p0 =	seq.s32 s7, s2  }
0x1e: {  	s7 =	smul.u32 @!p0 $0xF7A, s2;
	p2 =	seq.s32 @!p0 s5, $0x0  }
0x1f: {  	s9 =	smul.u32 $0xF7A, s1;
	s8 =	simm.s32 @!p0 $0x1BF5;
	p2 =	por !p2, p0  }
0x20: {  	[sflag:s8] =	ssyncset.s32 @!p0 $0xFFFFF086;
	s6 =	sadd.s32 @!p0 s3, s7;
	s7 =	simm.s32 @!p0 $0x108  }
0x21: {  	s3 =	sadd.s32 s3, s9;
	s6 =	sadd.s32 @!p0 $0x88, s6;
	s7 =	simm.s32 @p2 $0x1082  }
0x22: {  	[simem:s7], [sflag:s8] =	dma.local @!p0 [hbm:s6], $0xF7A  }
0x23: {  	s9 =	sor.u32 $0xD0000000, s2;
	s6 =	simm.s32 $0x108;
	_ =	swait.ge @!p0 [sflag:s8], $0x0  }
0x24: {  	s3 =	sadd.s32 $0x88, s3;
	s6 =	simm.s32 @!p1 $0x1082;
	[sflag:s4] =	ssyncset.s32 $0xFFFFF086  }
0x25: {  	[simem:s6], [sflag:s4] =	dma.local [hbm:s3], $0xF7A  }
0x26: {  	[smem:$0x3F9E] =	sst s1;
	(tag) =	ssettag s2;
	_ =	strace s9  }
0x27: {  	s1 =	sld [smem:$0x3FAE]  }
0x28: {  	s2 =	sld [smem:$0x3FAF]  }
0x29: {  	s4 =	sld [smem:$0x3FB1]  }
0x2a: {  	p0 =	seq.s32 s5, $0x0;
	s5 =	sld [smem:$0x3FB2]  }
0x2b: {  	s6 =	sld [smem:$0x3FB3]  }
0x2c: {  	s7 =	sld [smem:$0x3FB4]  }
0x2d: {  	s3 =	simm.s32 $0x108;
	s8 =	sld [smem:$0x3FB5]  }
0x2e: {  	s3 =	simm.s32 @!p0 $0x1082;
	s9 =	sld [smem:$0x3FB6]  }
0x2f: {  	lr =	sadd.s32 s0, s3;
	s0 =	sld [smem:$0x3FAD]  }
0x30: {  	s3 =	sld [smem:$0x3FB0]  }
0x31: {  	[smem:$0x3FB9] =	sst s10  }
0x32: {  	s10 =	sld [smem:$0x3FB7];
	_ =	sdelay $0x3  }
0x33: {  	p0 =	seq.s32 s10, $0x1;
	s10 =	sld [smem:$0x3FB9];
	_ =	sdelay $0x3  }
0x34: {  	[smem:$0x3FB9] =	sst s10  }
0x35: {  	s10 =	sld [smem:$0x3FB8];
	_ =	sdelay $0x3  }
0x36: {  	p1 =	seq.s32 s10, $0x1;
	s10 =	sld [smem:$0x3FB9];
	_ =	sdelay $0x3  }
0x37: {  	[smem:$0x3FB9] =	sst s10  }
0x38: {  	s10 =	sld [smem:$0x3FBA]  }
0x39: {  	_ = 	snop;
	(pc) =	sbr.ind lr, $3  }
0x3a: {  	_ = 	snop  }
0x3b: {  	_ = 	snop  }
0x3c: {  	p2 =	seq.s32 s10, $0x1;
	s10 =	sld [smem:$0x3FB9]  }
0x3d: {  	_ =	shalt  }
0x3e: {  	_ =	shalt  }
0x3f: {  	_ =	shalt  }
0x40: {  	_ =	shalt  }
0x41: {  	_ =	shalt  }
0x42: {  	_ =	shalt  }
0x43: {  	_ =	shalt  }
0x44: {  	_ =	shalt  }
0x45: {  	_ =	shalt  }
0x46: {  	_ =	shalt  }
0x47: {  	_ =	shalt  }
0x48: {  	_ =	shalt  }
0x49: {  	_ =	shalt  }
0x4a: {  	_ =	shalt  }
0x4b: {  	_ =	shalt  }
0x4c: {  	_ =	shalt  }
0x4d: {  	_ =	shalt  }
0x4e: {  	_ =	shalt  }
0x4f: {  	_ =	shalt  }
0x50: {  	_ =	shalt  }
0x51: {  	_ =	shalt  }
0x52: {  	_ =	shalt  }
0x53: {  	_ =	shalt  }
0x54: {  	_ =	shalt  }
0x55: {  	_ =	shalt  }
0x56: {  	_ =	shalt  }
0x57: {  	_ =	shalt  }
0x58: {  	_ =	shalt  }
0x59: {  	_ =	shalt  }
0x5a: {  	_ =	shalt  }
0x5b: {  	_ =	shalt  }
0x5c: {  	_ =	shalt  }
0x5d: {  	_ =	shalt  }
0x5e: {  	_ =	shalt  }
0x5f: {  	_ =	shalt  }
0x60: {  	_ =	shalt  }
0x61: {  	_ =	shalt  }
0x62: {  	_ =	shalt  }
0x63: {  	_ =	shalt  }
0x64: {  	_ =	shalt  }
0x65: {  	_ =	shalt  }
0x66: {  	_ =	shalt  }
0x67: {  	_ =	shalt  }
0x68: {  	_ =	shalt  }
0x69: {  	_ =	shalt  }
0x6a: {  	_ =	shalt  }
0x6b: {  	_ =	shalt  }
0x6c: {  	_ =	shalt  }
0x6d: {  	_ =	shalt  }
0x6e: {  	_ =	shalt  }
0x6f: {  	_ =	shalt  }
0x70: {  	_ =	shalt  }
0x71: {  	_ =	shalt  }
0x72: {  	_ =	shalt  }
0x73: {  	_ =	shalt  }
0x74: {  	_ =	shalt  }
0x75: {  	_ =	shalt  }
0x76: {  	_ =	shalt  }
0x77: {  	_ =	shalt  }
0x78: {  	_ =	shalt  }
0x79: {  	_ =	shalt  }
0x7a: {  	_ =	shalt  }
0x7b: {  	_ =	shalt  }
0x7c: {  	_ =	shalt  }
0x7d: {  	_ =	shalt  }
0x7e: {  	_ =	shalt  }
0x7f: {  	_ =	shalt  }
0x80: {  	_ =	shalt  }
0x81: {  	_ =	shalt  }
0x82: {  	_ =	shalt  }
0x83: {  	_ =	shalt  }
0x84: {  	_ =	shalt  }
0x85: {  	_ =	shalt  }
0x86: {  	_ =	shalt  }
0x87: {  	_ =	shalt  }
.Lfunc_end0:
.L_simem_size_0:
called_computation_lowered:
.L_overlay_start_0:
0x88: {  	s2 =	sld [smem:$0x3FD9]  }
0x89: {  	s3 =	sld [smem:$0x3FFE];
	_ =	sdelay $0x1  }
0x8a: {  	s1 =	srdreg.scid  }
0x8b: {  	s0 =	sand.u32 $0x1, s1  }
0x8c: {  	s16 =	sshll.u32 s0, $0xA;
	s2 =	sadd.s32 s3, s2  }
0x8d: {  	s2 =	sadd.s32 s2, s16  }
0x8e: {  	[smem:$0x3FC5] =	sst s2  }
0x8f: {  	_ = 	snop  }
0x90: {  	(tm) =	ssettm $0x1  }
0x91: {  	s17 =	sld [smem:$0x3FFB];
	_ =	sdelay $0x3  }
0x92: {  	_ =	strace s17  }
0x93: {  	s2 =	sld [smem:$0x3FFC];
	_ =	sdelay $0x3  }
0x94: {  	_ =	strace s2  }
0x95: {  	s2 =	sld [smem:$0x3FFD];
	_ =	sdelay $0x3  }
0x96: {  	_ =	strace s2  }
0x97: {  	_ =	strace $0x8FFFFFFF  }
0x98: {  	s18 =	sld [smem:$0x3FDB];
	_ =	sdelay $0x1  }
0x99: {  	s19 =	simm.s32 $_scs_section_size  }
0x9a: {  	s4 =	simm.s32 $_size__tile_overlayer_lowered;
	s5 =	simm.s32 $_tile_overlayer_lowered  }
0x9b: {  	s22 =	simm.s32 $0x1BFF;
	s21 =	sshll.u32 s5, $0x1;
	s2 =	sadd.s32 s19, s18  }
0x9c: {  	s6 =	simm.s32 $0x0;
	s20 =	sshll.u32 s4, $0x1;
	s4 =	sadd.s32 s21, s2  }
0x9d: {  	[timem:s6], [sflag:s22] =	dma.local [hbm:s4], s20  }
0x9e: {  	_ =	swait.ge [sflag:s22], s20  }
0x9f: {  	s3 =	ssub.s32 $0x0, s20;
	[sflag:s22] =	ssyncset.done $0x0  }
0xa0: {  	[sflag:s22] =	ssyncadd.s32 s3;
	_ =	sdelay $0x1  }
0xa1: {  	s23 =	simm.s32 $0x1B8B  }
0xa2: {  	_ =	swait.ge [sflag:s23], $0x1  }
0xa3: {  	[sflag:s23] =	ssyncset.done $0x0  }
0xa4: {  	s25 =	simm.s32 $0x1B8E;
	s24 =	sld [smem:$0x3FFE];
	[sflag:s23] =	ssyncadd.s32 $0xFFFFFFFF  }
0xa5: {  	s26 =	simm.s32 $execute0_lowered;
	[smem:$0x3FD2] =	sst s25  }
0xa6: {  	s4 =	sshll.u32 s26, $0x1;
	_ =	strace $0x80000046;
	[dreg:$0x1] =	wrdreg $0xFFFFFFFF  }
0xa7: {  	s28 =	simm.s32 $_size_execute0_lowered;
	s2 =	sadd.s32 s2, s4;
	[dreg:$0x0] =	wrdreg $0x0  }
0xa8: {  	s4 =	sshll.u32 s28, $0x1;
	[dreg:$0x2] =	wrdreg s2  }
0xa9: {  	[dreg:$0x3] =	wrdreg s4  }
0xaa: {  	[dreg:$0x4] =	wrdreg $0xC0  }
0xab: {  	_ =	task [dreg:s6], $0x5FFFF  }
0xac: {  	[dreg:$0x1] =	wrdreg $0xFFFFFFFF  }
0xad: {  	[dreg:$0x0] =	wrdreg $0x60  }
0xae: {  	[dreg:$0x2] =	wrdreg s24  }
0xaf: {  	[dreg:$0x3] =	wrdreg $0x1CA800  }
0xb0: {  	[dreg:$0x4] =	wrdreg $0x9  }
0xb1: {  	_ =	task.clear_ibuf [dreg:s6], $0x5FFFF;
	_ =	strace $0x90000046  }
0xb2: {  	s29 =	simm.s32 $0x9;
	_ =	strace $0x80000048  }
0xb3: {  	_ =	swait.ge [sflag:s29], $0x1  }
0xb4: {  	[sflag:s29] =	ssyncadd.s32 $0xFFFFFFFF  }
0xb5: {  	_ =	strace $0x90000048  }
0xb6: {  	_ =	sfence  }
0xb7: {  	s30 =	sld [smem:$0x0];
	_ =	sdelay $0x2  }
0xb8: {  	s31 =	sshll.u32 s1, $0xD;
	s1 =	sshrl.u32 s1, $0x2  }
0xb9: {  	s3 =	sand.u32 $0x4000, s31;
	s1 =	sadd.s32 s1, s30  }
0xba: {  	s0 =	sor.u32 s3, s0;
	s1 =	sshll.u32 s1, $0x11  }
0xbb: {  	s0 =	sor.u32 s1, s0  }
0xbc: {  	s0 =	sadd.s32 $0x8F2B, s0  }
0xbd: {  	[sflag:s0] =	ssyncadd.remote.s32 $0x1  }
0xbe: {  	_ =	sfence.sel $0xFFFF  }
0xbf: {  	[dreg:$0x0] =	wrdreg $0xFFFFFFFF;
	(pc) =	sbr.abs _section_cstart, $3  }
0xc0: {  	[dreg:$0x1] =	wrdreg $0xFFFFFFFF  }
0xc1: {  	_ =	task.clear_ibuf [dreg:s6], $0x2FFFF;
	_ =	strace $0x9FFFFFFF  }
0xc2: {  	(tm) =	ssettm $0x7FFFFFFF  }
0xc3: {  	_ =	shalt  }
tec
execute0_lowered:
.L_overlay_start_1:
0x0: {  	(tag) =	ssettag $0x1  }
0x1: {  	s0 =	rddreg [dreg:$0x0]  }
0x2: {  	s2 =	rddreg [dreg:$0x1]  }
0x3: {  	s3 =	simm.s32 $0x0;
	s14 =	stileid.u32;
	s1 =	srdreg.scid  }
0x4: {  	s28 =	simm.s32 $0x6;
	s30 =	simm.s32 $0x1;
	s31 =	simm.s32 $0x3  }
0x5: {  	[smem:$0x7FF] =	sst s3;
	s4 =	sand.u32 $0x3, s14;
	s1 =	sand.u32 $0x1, s1  }
0x6: {  	s7 =	sshrl.u32 s14, $0x2;
	s8 =	sadd.s32 $0x400, s0;
	s29 =	smul.u32 $0xA000, s14  }
0x7: {  	s9 =	sadd.s32 $0x7C00, s0;
	s12 =	sshll.u32 s14, $0x1;
	s5 =	smul.u32 $0x13C0, s4  }
0x8: {  	s6 =	sshll.u32 s1, $0x2;
	_ =	strace $0x80000047;
	s23 =	smul.u32 $0x14, s4  }
0x9: {  	s13 =	ssub.s32 $0x2, s1;
	s6 =	sor.u32 s7, s6;
	s7 =	smul.u32 $0x140, s7  }
0xa: {  	s1 =	sshll.u32 s1, $0x5;
	s24 =	sshrl.u32 s13, $0x1;
	s11 =	smul.u32 $0x4F0, s6  }
0xb: {  	s20 =	sshrl.u32 s29, $0x2;
	s10 =	sshrl.u32 s5, $0x3;
	s6 =	smul.u32 $0x2780, s6  }
0xc: {  	s19 =	ssub.s32 s13, s24;
	s5 =	ssub.s32 $0x4E20, s5;
	s10 =	sadd.s32 s10, s0  }
0xd: {  	s0 =	sadd.s32 s12, s0;
	s24 =	sor.u32 s23, s7;
	s19 =	smax.u32 s19, $0x1  }
0xe: {  	s12 =	sadd.s32 $0xC0, s7;
	s13 =	sadd.s32 $0xD0, s7;
	s14 =	sadd.s32 $0xE0, s7  }
0xf: {  	s25 =	sadd.s32 s8, s11;
	s6 =	sshrl.u32 s6, $0x3;
	s16 =	sadd.s32 $0xF400, s10  }
0x10: {  	s17 =	sadd.s32 $0xFDE0, s10;
	s18 =	sadd.s32 $0x107C0, s10;
	[dreg:$0x10] =	wrdreg s25  }
0x11: {  	s21 =	sadd.s32 s9, s11;
	s10 =	sor.u32 $0x10, s7;
	[dreg:$0x4] =	wrdreg s16  }
0x12: {  	s11 =	sshll.u32 s24, $0x7;
	s0 =	sadd.s32 s1, s0;
	[dreg:$0x5] =	wrdreg s17  }
0x13: {  	s24 =	sadd.s32 $0x90, s7;
	s26 =	sadd.s32 $0x2780, s6;
	[dreg:$0x6] =	wrdreg s18  }
0x14: {  	s6 =	sadd.s32 $0x4F00, s6;
	[dreg:$0x7] =	wrdreg s21;
	s11 =	sadd.s32 s11, s2  }
0x15: {  	s0 =	sadd.s32 $0x11200, s0;
	s21 =	sadd.s32 $0x60, s7;
	[dreg:$0xb] =	wrdreg s11  }
0x16: {  	v0 =	vlaneseq.u32;
	s16 =	sadd.s32 $0x110, s7;
	s17 =	sadd.s32 $0x120, s7;
	[dreg:$0xf] =	wrdreg s0  }
0x17: {  	s18 =	sadd.s32 $0x130, s7;
	s15 =	sadd.s32 s8, s26;
	v19 =	vor.u32 s16, v0;
	s16 =	rddreg [dreg:$0x10]  }
0x18: {  	s8 =	sadd.s32 s8, s6;
	s22 =	sadd.s32 s9, s26;
	[dreg:$0x11] =	wrdreg s15  }
0x19: {  	s6 =	sadd.s32 s9, s6;
	s9 =	smin.u32 s5, $0x13C0;
	[dreg:$0x12] =	wrdreg s8  }
0x1a: {  	s5 =	sadd.s32 $0xA0, s7;
	s0 =	simm.s32 $0x4;
	[dreg:$0x9] =	wrdreg s22  }
0x1b: {  	s8 =	sadd.s32 s20, s2;
	[dreg:$0xa] =	wrdreg s6;
	s6 =	sadd.s32 $0x50, s7  }
0x1c: {  	s15 =	smul.u32 $0xA00, s4;
	s4 =	sadd.s32 $0xF0, s7;
	s25 =	sadd.s32 s23, s6  }
0x1d: {  	v2 =	vor.u32 s7, v0;
	[dreg:$0x8] =	wrdreg s8;
	s8 =	sadd.s32 s23, s4;
	s11 =	sshll.u32 s25, $0x7  }
0x1e: {  	[tilespmem:$0x1FF80] =	vst v2;
	v2 =	vor.u32 s10, v0;
	s29 =	sshll.u32 s8, $0x7;
	s8 =	sor.u32 $0x20, s7;
	s11 =	sadd.s32 s11, s2  }
0x1f: {  	v22 =	vimm.f32 $0.0e+00;
	v23 =	vimm.f32 $2.000000000e+00;
	[tilespmem:$0x1FF90] =	vst v2;
	s26 =	sadd.s32 s23, s5;
	v2 =	vor.u32 s8, v0;
	[dreg:$0xc] =	wrdreg s11;
	s11 =	sor.u32 $0x30, s7  }
0x20: {  	vm0 =	vmmov $0xffff;
	v20 =	vor.u32 s17, v0;
	s20 =	sadd.s32 $0x40, s7;
	s22 =	sadd.s32 $0x70, s7;
	s17 =	rddreg [dreg:$0x11];
	[tilespmem:$0x1FFA0] =	vst v2;
	v2 =	vor.u32 s11, v0  }
0x21: {  	v14 =	vor.u32 s12, v0;
	v21 =	vor.u32 s18, v0;
	s1 =	sshll.u32 s26, $0x7;
	s23 =	sadd.s32 $0x80, s7;
	s18 =	rddreg [dreg:$0x12];
	[tilespmem:$0x1FFB0] =	vst v2;
	v2 =	vor.u32 s20, v0  }
0x22: {  	v15 =	vor.u32 s13, v0;
	v16 =	vor.u32 s14, v0;
	s26 =	simm.s32 $0x10200;
	[dreg:$0x3] =	wrdreg s15;
	s1 =	sadd.s32 s1, s2;
	[tilespmem:$0x1FFC0] =	vst v2;
	v2 =	vor.u32 s6, v0  }
0x23: {  	v11 =	vor.u32 s24, v0;
	v1 =	vmov s9;
	s15 =	sadd.s32 $0x100, s7;
	[dreg:$0xd] =	wrdreg s1;
	s1 =	sadd.s32 s29, s2;
	[tilespmem:$0x1FFD0] =	vst v2;
	v2 =	vor.u32 s21, v0  }
0x24: {  	v12 =	vor.u32 s5, v0;
	v17 =	vor.u32 s4, v0;
	s25 =	simm.s32 $0x7780;
	s29 =	sadd.s32 $0xB0, s7;
	[dreg:$0xe] =	wrdreg s1;
	[tilespmem:$0x1FFE0] =	vst v2;
	v2 =	vor.u32 s22, v0  }
0x25: {  	v10 =	vor.u32 s23, v0;
	v18 =	vor.u32 s15, v0;
	s1 =	simm.s32 $0x2;
	v13 =	vor.u32 s29, v0;
	s21 =	simm.s32 $0x5;
	s22 =	simm.s32 $0x0;
	[tilespmem:$0x1FFF0] =	vst v2  }
.LBB2_1:
0x26: {  	[tilespmem:s3], [sflag:$0x1] =	stream.linear.gather [hbm4b:s16+s3], $0x2780, $0x38;
	[tilespmem:$0x1F280] =	vst v63  }
0x27: {  	s4 =	simm.s32 $0x2780  }
0x28: {  	[tilespmem:s4], [sflag:$0x1] =	stream.linear.gather [hbm4b:s17+s3], $0x2780, $0x38;
	[tilespmem:$0x1F280] =	vst v63  }
0x29: {  	s13 =	simm.s32 $0x4F00  }
0x2a: {  	[tilespmem:s13], [sflag:$0x1] =	stream.linear.gather [hbm4b:s18+s3], $0x2780, $0x38;
	[tilespmem:$0x1F280] =	vst v63  }
0x2b: {  	s14 =	rddreg [dreg:$0x4];
	s5 =	simm.s32 $0xC680  }
0x2c: {  	[tilespmem:s5], [sflag:$0x2] =	stream.linear.gather [hbm4b:s14+s3], $0x13C0, $0x38;
	[tilespmem:$0x1F280] =	vst v63  }
0x2d: {  	s15 =	rddreg [dreg:$0x5];
	s20 =	simm.s32 $0xDA40  }
0x2e: {  	[tilespmem:s20], [sflag:$0x2] =	stream.linear.gather [hbm4b:s15+s3], $0x13C0, $0x38;
	[tilespmem:$0x1F280] =	vst v63  }
0x2f: {  	s23 =	rddreg [dreg:$0x6];
	s24 =	simm.s32 $0xEE00  }
0x30: {  	[tilespmem:s24], [sflag:$0x2] =	stream.linear.gather [hbm4b:s23+s3], $0x13C0, $0x38;
	[tilespmem:$0x1F280] =	vst v63  }
0x31: {  	s29 =	rddreg [dreg:$0x7];
	s4 =	simm.s32 $0x10300  }
0x32: {  	[tilespmem:s25], [sflag:$0x3] =	stream.linear.gather [hbm4b:s29+s3], $0x2780, $0x38;
	[tilespmem:$0x1F280] =	vst v63  }
0x33: {  	[tilespmem:s4+$0xFFFFFF00] =	vst v22  }
0x34: {  	[tilespmem:s4+$0xF0] =	vst v22  }
0x35: {  	[tilespmem:s4+$0xE0] =	vst v22  }
0x36: {  	[tilespmem:s4+$0xD0] =	vst v22  }
0x37: {  	[tilespmem:s4+$0xC0] =	vst v22  }
0x38: {  	[tilespmem:s4+$0xB0] =	vst v22  }
0x39: {  	[tilespmem:s4+$0xA0] =	vst v22  }
0x3a: {  	[tilespmem:s4+$0x90] =	vst v22  }
0x3b: {  	[tilespmem:s4+$0x80] =	vst v22  }
0x3c: {  	[tilespmem:s4+$0x70] =	vst v22  }
0x3d: {  	[tilespmem:s4+$0x60] =	vst v22  }
0x3e: {  	[tilespmem:s4+$0x50] =	vst v22  }
0x3f: {  	[tilespmem:s4+$0x40] =	vst v22  }
0x40: {  	[tilespmem:s4+$0x30] =	vst v22  }
0x41: {  	[tilespmem:s4+$0x20] =	vst v22  }
0x42: {  	[tilespmem:s4+$0x10] =	vst v22  }
0x43: {  	[tilespmem:s4+$0x0] =	vst v22  }
0x44: {  	[tilespmem:s4+$0xFFFFFFF0] =	vst v22  }
0x45: {  	[tilespmem:s4+$0xFFFFFFE0] =	vst v22  }
0x46: {  	[tilespmem:s4+$0xFFFFFFD0] =	vst v22  }
0x47: {  	[tilespmem:s4+$0xFFFFFFC0] =	vst v22  }
0x48: {  	[tilespmem:s4+$0xFFFFFFB0] =	vst v22  }
0x49: {  	[tilespmem:s4+$0xFFFFFFA0] =	vst v22  }
0x4a: {  	[tilespmem:s4+$0xFFFFFF90] =	vst v22  }
0x4b: {  	[tilespmem:s4+$0xFFFFFF80] =	vst v22  }
0x4c: {  	[tilespmem:s4+$0xFFFFFF70] =	vst v22  }
0x4d: {  	[tilespmem:s4+$0xFFFFFF60] =	vst v22  }
0x4e: {  	[tilespmem:s4+$0xFFFFFF50] =	vst v22  }
0x4f: {  	[tilespmem:s4+$0xFFFFFF40] =	vst v22  }
0x50: {  	[tilespmem:s4+$0xFFFFFF30] =	vst v22  }
0x51: {  	s5 =	simm.s32 $0x0;
	[tilespmem:s4+$0xFFFFFF20] =	vst v22  }
.LBB2_2:
0x52: {  	s5 =	sadd.s32 $0x4, s5;
	[tilespmem:s4+$0xFFFFFF10] =	vst v22;
	s4 =	sadd.s32 $0x200, s4  }
0x53: {  	[tilespmem:s4+$0xFFFFFF00] =	vst v22;
	p0 =	slt.u32 s5, $0x13C  }
0x54: {  	[tilespmem:s4+$0xF0] =	vst v22  }
0x55: {  	[tilespmem:s4+$0xE0] =	vst v22  }
0x56: {  	[tilespmem:s4+$0xD0] =	vst v22  }
0x57: {  	[tilespmem:s4+$0xC0] =	vst v22  }
0x58: {  	[tilespmem:s4+$0xB0] =	vst v22  }
0x59: {  	[tilespmem:s4+$0xA0] =	vst v22  }
0x5a: {  	[tilespmem:s4+$0x90] =	vst v22  }
0x5b: {  	[tilespmem:s4+$0x80] =	vst v22  }
0x5c: {  	[tilespmem:s4+$0x70] =	vst v22  }
0x5d: {  	[tilespmem:s4+$0x60] =	vst v22  }
0x5e: {  	[tilespmem:s4+$0x50] =	vst v22  }
0x5f: {  	[tilespmem:s4+$0x40] =	vst v22  }
0x60: {  	[tilespmem:s4+$0x30] =	vst v22  }
0x61: {  	[tilespmem:s4+$0x20] =	vst v22  }
0x62: {  	[tilespmem:s4+$0x10] =	vst v22  }
0x63: {  	[tilespmem:s4+$0x0] =	vst v22  }
0x64: {  	[tilespmem:s4+$0xFFFFFFF0] =	vst v22  }
0x65: {  	[tilespmem:s4+$0xFFFFFFE0] =	vst v22  }
0x66: {  	[tilespmem:s4+$0xFFFFFFD0] =	vst v22  }
0x67: {  	[tilespmem:s4+$0xFFFFFFC0] =	vst v22  }
0x68: {  	[tilespmem:s4+$0xFFFFFFB0] =	vst v22  }
0x69: {  	[tilespmem:s4+$0xFFFFFFA0] =	vst v22  }
0x6a: {  	[tilespmem:s4+$0xFFFFFF90] =	vst v22  }
0x6b: {  	[tilespmem:s4+$0xFFFFFF80] =	vst v22  }
0x6c: {  	[tilespmem:s4+$0xFFFFFF70] =	vst v22  }
.Ltmp0:
0x6d: {  	[tilespmem:s4+$0xFFFFFF60] =	vst v22;
	(pc) =	sbr.rel @p0 .LBB2_2-.Ltmp0, $4  }
0x6e: {  	[tilespmem:s4+$0xFFFFFF50] =	vst v22  }
0x6f: {  	[tilespmem:s4+$0xFFFFFF40] =	vst v22  }
0x70: {  	[tilespmem:s4+$0xFFFFFF30] =	vst v22  }
0x71: {  	[tilespmem:s4+$0xFFFFFF20] =	vst v22  }
0x72: {  	[tilespmem:s4+$0xFFFFFF10] =	vst v22  }
0x73: {  	s4 =	rddreg [dreg:$0x8]  }
0x74: {  	[spmem:s4] =	stream.linear.scatter [tilespmem:s26], [sflag:$0x6], $0x2800, $0x38;
	[tilespmem:$0x1F280] =	vst v63  }
0x75: {  	_ =	swait.ge [sflag:s28], $0x2800  }
0x76: {  	[sflag:s28] =	ssyncset.done $0x0  }
0x77: {  	s5 =	simm.s32 $0x9F00;
	s29 =	rddreg [dreg:$0x9];
	[sflag:s28] =	ssyncadd.s32 $0xFFFFD800  }
0x78: {  	[tilespmem:s5], [sflag:$0x4] =	stream.linear.gather [hbm4b:s29+s3], $0x2780, $0x38;
	[tilespmem:$0x1F280] =	vst v63  }
0x79: {  	_ =	swait.ge [sflag:s30], $0x2780  }
0x7a: {  	[sflag:s30] =	ssyncset.done $0x0  }
0x7b: {  	[sflag:s30] =	ssyncadd.s32 $0xFFFFD880  }
0x7c: {  	_ =	swait.ge [sflag:s31], $0x2780  }
0x7d: {  	[sflag:s31] =	ssyncset.done $0x0  }
0x7e: {  	s4 =	simm.s32 $0x40;
	[sflag:s31] =	ssyncadd.s32 $0xFFFFD880  }
0x7f: {  	s7 =	simm.s32 $0x77C0;
	v24 =	vld [tilespmem:s4+$0x0]  }
0x80: {  	v25 =	vld [tilespmem:s7+$0x0];
	_ =	sdelay $0x1  }
0x81: {  	v26 =	vld [tilespmem:s7+$0xFFFFFFC0]  }
0x82: {  	v27 =	vld [tilespmem:s4+$0xFFFFFFC0];
	_ =	sdelay $0x1  }
0x83: {  	v24 =	vsub.f32 v24, v25;
	_ =	sdelay $0x1  }
0x84: {  	[tilespmem:s4+$0x0] =	vst v24;
	v24 =	vld [tilespmem:s4+$0x10]  }
0x85: {  	v25 =	vsub.f32 v27, v26;
	v26 =	vld [tilespmem:s7+$0x10]  }
0x86: {  	v28 =	vld [tilespmem:s4+$0xFFFFFFE0]  }
0x87: {  	v29 =	vld [tilespmem:s4+$0x20]  }
0x88: {  	v27 =	vld [tilespmem:s4+$0xFFFFFFD0];
	[tilespmem:s4+$0xFFFFFFC0] =	vst v25  }
0x89: {  	s5 =	simm.s32 $0xC0;
	v25 =	vld [tilespmem:s7+$0xFFFFFFD0]  }
0x8a: {  	s6 =	simm.s32 $0x7840;
	v30 =	vld [tilespmem:s5+$0x0];
	v24 =	vsub.f32 v24, v26  }
0x8b: {  	v31 =	vld [tilespmem:s6+$0x0]  }
0x8c: {  	v33 =	vld [tilespmem:s6+$0xFFFFFFC0];
	[tilespmem:s4+$0x10] =	vst v24  }
0x8d: {  	v32 =	vld [tilespmem:s7+$0x20]  }
0x8e: {  	v62 =	vld [tilespmem:s5+$0x10];
	v25 =	vsub.f32 v27, v25  }
0x8f: {  	v27 =	vld [tilespmem:s5+$0xFFFFFFC0]  }
0x90: {  	v26 =	vld [tilespmem:s5+$0xFFFFFFD0];
	[tilespmem:s4+$0xFFFFFFD0] =	vst v25  }
0x91: {  	v25 =	vsub.f32 v30, v31;
	v30 =	vld [tilespmem:s7+$0xFFFFFFE0]  }
0x92: {  	v24 =	vld [tilespmem:s4+$0xFFFFFFF0];
	v29 =	vsub.f32 v29, v32  }
0x93: {  	v31 =	vld [tilespmem:s4+$0x30];
	[tilespmem:s5+$0x0] =	vst v25  }
0x94: {  	v25 =	vsub.f32 v27, v33;
	v63 =	vld [tilespmem:s6+$0x10];
	[tilespmem:s4+$0x20] =	vst v29  }
0x95: {  	v34 =	vld [tilespmem:s7+$0x30]  }
0x96: {  	v27 =	vld [tilespmem:s5+$0xFFFFFFF0];
	[tilespmem:s5+$0xFFFFFFC0] =	vst v25;
	v28 =	vsub.f32 v28, v30  }
0x97: {  	v30 =	vld [tilespmem:s6+$0xFFFFFFD0]  }
0x98: {  	v25 =	vld [tilespmem:s5+$0xFFFFFFE0];
	[tilespmem:s4+$0xFFFFFFE0] =	vst v28  }
0x99: {  	v32 =	vsub.f32 v62, v63;
	v28 =	vld [tilespmem:s7+$0xFFFFFFF0]  }
0x9a: {  	s8 =	simm.s32 $0x2;
	s9 =	simm.s32 $0x140;
	v29 =	vld [tilespmem:s5+$0x20];
	s7 =	simm.s32 $0x7840;
	v31 =	vsub.f32 v31, v34  }
.LBB2_4:
0x9b: {  	v33 =	vld [tilespmem:s9+$0x0];
	[tilespmem:s5+$0x10] =	vst v32;
	s6 =	sadd.s32 $0x80, s6  }
0x9c: {  	v32 =	vld [tilespmem:s6+$0x0];
	v26 =	vsub.f32 v26, v30;
	[tilespmem:s4+$0x30] =	vst v31  }
0x9d: {  	s8 =	sadd.s32 $0x2, s8;
	v30 =	vld [tilespmem:s7+$0x20]  }
0x9e: {  	p0 =	slt.u32 s8, $0x9C;
	v31 =	vld [tilespmem:s6+$0xFFFFFFC0];
	[tilespmem:s5+$0xFFFFFFD0] =	vst v26;
	v28 =	vsub.f32 v24, v28;
	v24 =	vmov v27  }
0x9f: {  	v27 =	vld [tilespmem:s9+$0xFFFFFFC0]  }
0xa0: {  	v26 =	vld [tilespmem:s9+$0xFFFFFFD0];
	[tilespmem:s4+$0xFFFFFFF0] =	vst v28;
	s4 =	smov.u32 s5;
	s5 =	smov.u32 s9  }
0xa1: {  	v28 =	vsub.f32 v33, v32;
	v32 =	vld [tilespmem:s7+$0xFFFFFFE0]  }
0xa2: {  	v29 =	vsub.f32 v29, v30;
	v33 =	vld [tilespmem:s4+$0x30]  }
0xa3: {  	[tilespmem:s9+$0x0] =	vst v28;
	v28 =	vld [tilespmem:s9+$0x10]  }
0xa4: {  	v27 =	vsub.f32 v27, v31;
	v31 =	vld [tilespmem:s6+$0x10];
	[tilespmem:s4+$0x20] =	vst v29  }
0xa5: {  	v34 =	vld [tilespmem:s7+$0x30]  }
.Ltmp1:
0xa6: {  	[tilespmem:s9+$0xFFFFFFC0] =	vst v27;
	v29 =	vsub.f32 v25, v32;
	v25 =	vld [tilespmem:s9+$0xFFFFFFE0];
	(pc) =	sbr.rel @p0 .LBB2_4-.Ltmp1, $4  }
0xa7: {  	v30 =	vld [tilespmem:s6+$0xFFFFFFD0]  }
0xa8: {  	v27 =	vld [tilespmem:s9+$0xFFFFFFF0];
	[tilespmem:s4+$0xFFFFFFE0] =	vst v29  }
0xa9: {  	v32 =	vsub.f32 v28, v31;
	v28 =	vld [tilespmem:s7+$0xFFFFFFF0];
	s7 =	smov.u32 s6  }
0xaa: {  	s9 =	sadd.s32 $0x80, s9;
	v29 =	vld [tilespmem:s5+$0x20];
	v31 =	vsub.f32 v33, v34  }
0xab: {  	_ = 	snop  }
0xac: {  	v26 =	vsub.f32 v26, v30  }
0xad: {  	[tilespmem:s5+$0x10] =	vst v32  }
0xae: {  	v30 =	vld [tilespmem:s7+$0x20];
	[tilespmem:s5+$0xFFFFFFD0] =	vst v26  }
0xaf: {  	v26 =	vld [tilespmem:s7+$0xFFFFFFE0];
	_ =	sdelay $0x3  }
0xb0: {  	v29 =	vsub.f32 v29, v30  }
0xb1: {  	v25 =	vsub.f32 v25, v26  }
0xb2: {  	v30 =	vld [tilespmem:s5+$0x30];
	[tilespmem:s5+$0x20] =	vst v29  }
0xb3: {  	v26 =	vld [tilespmem:s7+$0x30];
	[tilespmem:s5+$0xFFFFFFE0] =	vst v25  }
0xb4: {  	v25 =	vld [tilespmem:s7+$0xFFFFFFF0];
	_ =	sdelay $0x2  }
0xb5: {  	v24 =	vsub.f32 v24, v28  }
0xb6: {  	[tilespmem:s4+$0x30] =	vst v31;
	v26 =	vsub.f32 v30, v26  }
0xb7: {  	[tilespmem:s4+$0xFFFFFFF0] =	vst v24;
	v24 =	vsub.f32 v27, v25  }
0xb8: {  	[tilespmem:s5+$0x30] =	vst v26  }
0xb9: {  	[tilespmem:s5+$0xFFFFFFF0] =	vst v24  }
0xba: {  	s4 =	rddreg [dreg:$0xa]  }
0xbb: {  	[tilespmem:s25], [sflag:$0x3] =	stream.linear.gather [hbm4b:s4+s3], $0x2780, $0x38;
	[tilespmem:$0x1F280] =	vst v63  }
0xbc: {  	_ =	swait.ge [sflag:s30], $0x2780  }
0xbd: {  	[sflag:s30] =	ssyncset.done $0x0  }
0xbe: {  	[sflag:s30] =	ssyncadd.s32 $0xFFFFD880  }
0xbf: {  	_ =	swait.ge [sflag:s0], $0x2780  }
0xc0: {  	[sflag:s0] =	ssyncset.done $0x0  }
0xc1: {  	s4 =	simm.s32 $0x27F0;
	[sflag:s0] =	ssyncadd.s32 $0xFFFFD880  }
0xc2: {  	s29 =	simm.s32 $0x9F70;
	v24 =	vld [tilespmem:s4+$0xFFFFFFD0]  }
0xc3: {  	v25 =	vld [tilespmem:s29+$0xFFFFFFD0];
	_ =	sdelay $0x1  }
0xc4: {  	v26 =	vld [tilespmem:s29+$0xFFFFFF90]  }
0xc5: {  	v27 =	vld [tilespmem:s4+$0xFFFFFF90];
	_ =	sdelay $0x1  }
0xc6: {  	v24 =	vsub.f32 v24, v25;
	_ =	sdelay $0x1  }
0xc7: {  	[tilespmem:s4+$0xFFFFFFD0] =	vst v24;
	v24 =	vld [tilespmem:s4+$0xFFFFFFE0]  }
0xc8: {  	v25 =	vsub.f32 v27, v26;
	v26 =	vld [tilespmem:s29+$0xFFFFFFE0]  }
0xc9: {  	v28 =	vld [tilespmem:s4+$0xFFFFFFB0]  }
0xca: {  	v29 =	vld [tilespmem:s4+$0xFFFFFFF0]  }
0xcb: {  	v27 =	vld [tilespmem:s4+$0xFFFFFFA0];
	[tilespmem:s4+$0xFFFFFF90] =	vst v25  }
0xcc: {  	s5 =	simm.s32 $0x2870;
	v25 =	vld [tilespmem:s29+$0xFFFFFFA0]  }
0xcd: {  	s6 =	simm.s32 $0x9FF0;
	v30 =	vld [tilespmem:s5+$0xFFFFFFD0];
	v24 =	vsub.f32 v24, v26  }
0xce: {  	v31 =	vld [tilespmem:s6+$0xFFFFFFD0]  }
0xcf: {  	v33 =	vld [tilespmem:s6+$0xFFFFFF90];
	[tilespmem:s4+$0xFFFFFFE0] =	vst v24  }
0xd0: {  	v61 =	vld [tilespmem:s29+$0xFFFFFFF0]  }
0xd1: {  	v62 =	vld [tilespmem:s5+$0xFFFFFFE0];
	v25 =	vsub.f32 v27, v25  }
0xd2: {  	v27 =	vld [tilespmem:s5+$0xFFFFFF90]  }
0xd3: {  	v26 =	vld [tilespmem:s5+$0xFFFFFFA0];
	[tilespmem:s4+$0xFFFFFFA0] =	vst v25  }
0xd4: {  	v25 =	vsub.f32 v30, v31;
	v30 =	vld [tilespmem:s29+$0xFFFFFFB0]  }
0xd5: {  	v24 =	vld [tilespmem:s4+$0xFFFFFFC0];
	v29 =	vsub.f32 v29, v61  }
0xd6: {  	v31 =	vld [tilespmem:s4+$0x0];
	[tilespmem:s5+$0xFFFFFFD0] =	vst v25  }
0xd7: {  	v25 =	vsub.f32 v27, v33;
	v63 =	vld [tilespmem:s6+$0xFFFFFFE0];
	[tilespmem:s4+$0xFFFFFFF0] =	vst v29  }
0xd8: {  	v34 =	vld [tilespmem:s29+$0x0]  }
0xd9: {  	v27 =	vld [tilespmem:s5+$0xFFFFFFC0];
	[tilespmem:s5+$0xFFFFFF90] =	vst v25;
	v28 =	vsub.f32 v28, v30  }
0xda: {  	v30 =	vld [tilespmem:s6+$0xFFFFFFA0]  }
0xdb: {  	v25 =	vld [tilespmem:s5+$0xFFFFFFB0];
	[tilespmem:s4+$0xFFFFFFB0] =	vst v28  }
0xdc: {  	v32 =	vsub.f32 v62, v63;
	v28 =	vld [tilespmem:s29+$0xFFFFFFC0]  }
0xdd: {  	s8 =	simm.s32 $0x2;
	s9 =	simm.s32 $0x28F0;
	s7 =	simm.s32 $0x9FF0;
	v29 =	vld [tilespmem:s5+$0xFFFFFFF0];
	v31 =	vsub.f32 v31, v34  }
.LBB2_6:
0xde: {  	v33 =	vld [tilespmem:s9+$0xFFFFFFD0];
	[tilespmem:s5+$0xFFFFFFE0] =	vst v32;
	s6 =	sadd.s32 $0x80, s6  }
0xdf: {  	v32 =	vld [tilespmem:s6+$0xFFFFFFD0];
	v26 =	vsub.f32 v26, v30;
	[tilespmem:s4+$0x0] =	vst v31  }
0xe0: {  	s8 =	sadd.s32 $0x2, s8;
	v30 =	vld [tilespmem:s7+$0xFFFFFFF0]  }
0xe1: {  	p0 =	slt.u32 s8, $0x9C;
	v31 =	vld [tilespmem:s6+$0xFFFFFF90];
	[tilespmem:s5+$0xFFFFFFA0] =	vst v26;
	v28 =	vsub.f32 v24, v28;
	v24 =	vmov v27  }
0xe2: {  	v27 =	vld [tilespmem:s9+$0xFFFFFF90]  }
0xe3: {  	v26 =	vld [tilespmem:s9+$0xFFFFFFA0];
	[tilespmem:s4+$0xFFFFFFC0] =	vst v28;
	s4 =	smov.u32 s5;
	s5 =	smov.u32 s9  }
0xe4: {  	v28 =	vsub.f32 v33, v32;
	v32 =	vld [tilespmem:s7+$0xFFFFFFB0]  }
0xe5: {  	v29 =	vsub.f32 v29, v30;
	v33 =	vld [tilespmem:s4+$0x0]  }
0xe6: {  	[tilespmem:s9+$0xFFFFFFD0] =	vst v28;
	v28 =	vld [tilespmem:s9+$0xFFFFFFE0]  }
0xe7: {  	v27 =	vsub.f32 v27, v31;
	v31 =	vld [tilespmem:s6+$0xFFFFFFE0];
	[tilespmem:s4+$0xFFFFFFF0] =	vst v29  }
0xe8: {  	v34 =	vld [tilespmem:s7+$0x0]  }
.Ltmp2:
0xe9: {  	[tilespmem:s9+$0xFFFFFF90] =	vst v27;
	v29 =	vsub.f32 v25, v32;
	v25 =	vld [tilespmem:s9+$0xFFFFFFB0];
	(pc) =	sbr.rel @p0 .LBB2_6-.Ltmp2, $4  }
0xea: {  	v30 =	vld [tilespmem:s6+$0xFFFFFFA0]  }
0xeb: {  	v27 =	vld [tilespmem:s9+$0xFFFFFFC0];
	[tilespmem:s4+$0xFFFFFFB0] =	vst v29  }
0xec: {  	v32 =	vsub.f32 v28, v31;
	v28 =	vld [tilespmem:s7+$0xFFFFFFC0];
	s7 =	smov.u32 s6  }
0xed: {  	s9 =	sadd.s32 $0x80, s9;
	v29 =	vld [tilespmem:s5+$0xFFFFFFF0];
	v31 =	vsub.f32 v33, v34  }
0xee: {  	_ = 	snop  }
0xef: {  	v26 =	vsub.f32 v26, v30  }
0xf0: {  	[tilespmem:s5+$0xFFFFFFE0] =	vst v32  }
0xf1: {  	v30 =	vld [tilespmem:s7+$0xFFFFFFF0];
	[tilespmem:s5+$0xFFFFFFA0] =	vst v26  }
0xf2: {  	v26 =	vld [tilespmem:s7+$0xFFFFFFB0];
	_ =	sdelay $0x3  }
0xf3: {  	v29 =	vsub.f32 v29, v30  }
0xf4: {  	v25 =	vsub.f32 v25, v26  }
0xf5: {  	v30 =	vld [tilespmem:s5+$0x0];
	[tilespmem:s5+$0xFFFFFFF0] =	vst v29  }
0xf6: {  	v26 =	vld [tilespmem:s7+$0x0];
	[tilespmem:s5+$0xFFFFFFB0] =	vst v25  }
0xf7: {  	v25 =	vld [tilespmem:s7+$0xFFFFFFC0];
	_ =	sdelay $0x2  }
0xf8: {  	v24 =	vsub.f32 v24, v28  }
0xf9: {  	[tilespmem:s4+$0x0] =	vst v31;
	v26 =	vsub.f32 v30, v26  }
0xfa: {  	[tilespmem:s4+$0xFFFFFFC0] =	vst v24;
	v24 =	vsub.f32 v27, v25  }
0xfb: {  	[tilespmem:s5+$0x0] =	vst v26  }
0xfc: {  	[tilespmem:s5+$0xFFFFFFC0] =	vst v24  }
0xfd: {  	_ =	swait.ge [sflag:s30], $0x2780  }
0xfe: {  	[sflag:s30] =	ssyncset.done $0x0  }
0xff: {  	[sflag:s30] =	ssyncadd.s32 $0xFFFFD880  }
0x100: {  	_ =	swait.ge [sflag:s31], $0x2780  }
0x101: {  	[sflag:s31] =	ssyncset.done $0x0  }
0x102: {  	s4 =	simm.s32 $0x0;
	[sflag:s31] =	ssyncadd.s32 $0xFFFFD880  }
0x103: {  	v24 =	vld [tilespmem:s4+$0x4F70]  }
0x104: {  	v25 =	vld [tilespmem:s4+$0x77F0]  }
0x105: {  	v26 =	vld [tilespmem:s4+$0x4F00]  }
0x106: {  	v27 =	vld [tilespmem:s4+$0x7780]  }
0x107: {  	v28 =	vld [tilespmem:s4+$0x4F10]  }
0x108: {  	v29 =	vld [tilespmem:s4+$0x7790]  }
0x109: {  	v30 =	vld [tilespmem:s4+$0x4F20]  }
0x10a: {  	v24 =	vsub.f32 v24, v25;
	v25 =	vld [tilespmem:s4+$0x77A0]  }
0x10b: {  	v31 =	vld [tilespmem:s4+$0x4F30]  }
0x10c: {  	v63 =	vld [tilespmem:s4+$0x77B0]  }
0x10d: {  	v27 =	vsub.f32 v26, v27;
	v26 =	vld [tilespmem:s4+$0x77C0]  }
0x10e: {  	v28 =	vsub.f32 v28, v29;
	[tilespmem:s4+$0x4F70] =	vst v24;
	v24 =	vld [tilespmem:s4+$0x4F40]  }
0x10f: {  	[tilespmem:s4+$0x4F00] =	vst v27;
	v27 =	vld [tilespmem:s4+$0x77D0];
	v29 =	vsub.f32 v30, v25  }
0x110: {  	[tilespmem:s4+$0x4F10] =	vst v28;
	v25 =	vld [tilespmem:s4+$0x4F50]  }
0x111: {  	s6 =	simm.s32 $0x200;
	s5 =	simm.s32 $0x0;
	v28 =	vld [tilespmem:s4+$0x4F60];
	[tilespmem:s4+$0x4F20] =	vst v29;
	v29 =	vsub.f32 v31, v63  }
.LBB2_8:
0x112: {  	s7 =	sshra.s32 s6, $0x2;
	v30 =	vld [tilespmem:s4+$0x77E0]  }
0x113: {  	s5 =	sadd.s32 $0x2, s5;
	v31 =	vld [tilespmem:s7+$0x4F70];
	[tilespmem:s4+$0x4F30] =	vst v29;
	v24 =	vsub.f32 v24, v26  }
0x114: {  	p0 =	slt.u32 s5, $0x9C;
	v26 =	vld [tilespmem:s7+$0x77F0]  }
0x115: {  	v29 =	vld [tilespmem:s7+$0x4F00];
	[tilespmem:s4+$0x4F40] =	vst v24;
	v24 =	vsub.f32 v25, v27  }
0x116: {  	v25 =	vld [tilespmem:s7+$0x7780]  }
0x117: {  	v27 =	vld [tilespmem:s7+$0x4F10];
	[tilespmem:s4+$0x4F50] =	vst v24;
	v24 =	vsub.f32 v28, v30  }
0x118: {  	v28 =	vld [tilespmem:s7+$0x7790]  }
0x119: {  	v30 =	vld [tilespmem:s7+$0x4F20];
	v26 =	vsub.f32 v31, v26;
	[tilespmem:s4+$0x4F60] =	vst v24;
	s4 =	smov.u32 s7  }
0x11a: {  	v31 =	vld [tilespmem:s4+$0x77A0]  }
0x11b: {  	v24 =	vsub.f32 v29, v25;
	v29 =	vld [tilespmem:s4+$0x4F30];
	[tilespmem:s4+$0x4F70] =	vst v26  }
0x11c: {  	v32 =	vld [tilespmem:s4+$0x77B0]  }
.Ltmp3:
0x11d: {  	[tilespmem:s4+$0x4F00] =	vst v24;
	v25 =	vsub.f32 v27, v28;
	v24 =	vld [tilespmem:s4+$0x4F40];
	(pc) =	sbr.rel @p0 .LBB2_8-.Ltmp3, $4  }
0x11e: {  	v26 =	vld [tilespmem:s4+$0x77C0]  }
0x11f: {  	[tilespmem:s4+$0x4F10] =	vst v25;
	v28 =	vsub.f32 v30, v31;
	v25 =	vld [tilespmem:s4+$0x4F50]  }
0x120: {  	v27 =	vld [tilespmem:s4+$0x77D0]  }
0x121: {  	s6 =	sadd.s32 $0x200, s6;
	[tilespmem:s4+$0x4F20] =	vst v28;
	v29 =	vsub.f32 v29, v32;
	v28 =	vld [tilespmem:s4+$0x4F60]  }
0x122: {  	v30 =	vld [tilespmem:s4+$0x77E0];
	_ =	sdelay $0x2  }
0x123: {  	v24 =	vsub.f32 v24, v26  }
0x124: {  	[tilespmem:s4+$0x4F30] =	vst v29;
	v25 =	vsub.f32 v25, v27  }
0x125: {  	[tilespmem:s4+$0x4F40] =	vst v24;
	v24 =	vsub.f32 v28, v30  }
0x126: {  	[tilespmem:s4+$0x4F50] =	vst v25  }
0x127: {  	[tilespmem:s4+$0x4F60] =	vst v24  }
0x128: {  	_ =	swait.ge [sflag:s1], $0x13C0  }
0x129: {  	[sflag:s1] =	ssyncset.done $0x0  }
0x12a: {  	[sflag:s1] =	ssyncadd.s32 $0xFFFFEC40  }
0x12b: {  	_ =	swait.ge [sflag:s1], $0x13C0  }
0x12c: {  	[sflag:s1] =	ssyncset.done $0x0  }
0x12d: {  	[sflag:s1] =	ssyncadd.s32 $0xFFFFEC40  }
0x12e: {  	_ =	swait.ge [sflag:s1], $0x13C0  }
0x12f: {  	[sflag:s1] =	ssyncset.done $0x0  }
0x130: {  	s12 =	simm.s32 $0xDA50;
	[sflag:s1] =	ssyncadd.s32 $0xFFFFEC40  }
0x131: {  	v27 =	vld [tilespmem:s12+$0xFFFFEC40]  }
0x132: {  	v28 =	vld [tilespmem:s12+$0x0];
	_ =	sdelay $0x1  }
0x133: {  	v30 =	vld [tilespmem:s12+$0x13C0];
	_ =	sdelay $0x3  }
0x134: {  	v31 =	vld [tilespmem:s12+$0xFFFFEC30]  }
0x135: {  	v24 =	vld.idx.msk [tilespmem:v27+s3+$0x0], $0xffff  }
0x136: {  	v25 =	vld.idx.msk [tilespmem:v28+s3+$0x0], $0xffff  }
0x137: {  	v32 =	vld [tilespmem:s12+$0xFFFFFFF0]  }
0x138: {  	v26 =	vld.idx.msk [tilespmem:v30+s3+$0x0], $0xffff  }
0x139: {  	s13 =	simm.s32 $0x10  }
0x13a: {  	v29 =	vor.u32 s13, v0  }
0x13b: {  	vm3 =	vlt.u32 v29, v1;
	v29 =	vadd.f32 v25, v24  }
0x13c: {  	s14 =	simm.s32 $0x0  }
0x13d: {  	s5 =	sand.u32 $0x1FE0, s14;
	v29 =	vadd.f32 v26, v29  }
0x13e: {  	v33 =	vld [tilespmem:s5+$0xEE00]  }
0x13f: {  	v35 =	vadd.s32 $0x2780, v27;
	v34 =	vld.idx.msk [tilespmem:v31+s3+$0x0], $0xffff;
	v24 =	vsub.f32 v29, v24  }
0x140: {  	v37 =	vadd.s32 $0x2780, v28;
	v36 =	vld.idx.msk [tilespmem:v32+s3+$0x0], $0xffff;
	v25 =	vsub.f32 v29, v25  }
0x141: {  	[tilespmem:v27+s26+$0x0] =	vst.idx.add.f32.msk vm3, v24;
	v24 =	vsub.f32 v29, v26  }
0x142: {  	[tilespmem:v28+s26+$0x0] =	vst.idx.add.f32.msk vm3, v25;
	v25 =	vadd.s32 $0x2780, v30  }
0x143: {  	[tilespmem:v30+s26+$0x0] =	vst.idx.add.f32.msk vm3, v24  }
0x144: {  	v24 =	vld.idx.msk [tilespmem:v35+s3+$0x0], $0xffff  }
0x145: {  	v26 =	vld.idx.msk [tilespmem:v37+s3+$0x0], $0xffff  }
0x146: {  	v51 =	vld.idx.msk [tilespmem:v33+s3+$0x0], $0xffff  }
0x147: {  	v25 =	vld.idx.msk [tilespmem:v25+s3+$0x0], $0xffff  }
0x148: {  	v29 =	vor.u32 s14, v0  }
0x149: {  	vm1 =	vlt.u32 v29, v1;
	v29 =	vadd.f32 v36, v34  }
0x14a: {  	v37 =	vadd.f32 v26, v24  }
0x14b: {  	v38 =	vadd.f32 v51, v29;
	v29 =	vadd.s32 $0x2800, v27  }
0x14c: {  	v37 =	vadd.f32 v25, v37  }
0x14d: {  	s15 =	simm.s32 $0xDA70;
	v39 =	vadd.s32 $0x2800, v28;
	v34 =	vsub.f32 v38, v34  }
0x14e: {  	v42 =	vld [tilespmem:s15+$0xFFFFEC30];
	v40 =	vadd.s32 $0x2800, v30;
	v24 =	vsub.f32 v37, v24  }
0x14f: {  	[tilespmem:v31+s26+$0x0] =	vst.idx.add.f32.msk vm1, v34  }
0x150: {  	v41 =	vadd.s32 $0x4F00, v27;
	v26 =	vsub.f32 v37, v26;
	[tilespmem:v29+s26+$0x0] =	vst.idx.add.f32.msk vm3, v24  }
0x151: {  	v52 =	vadd.s32 $0x4F00, v28;
	v24 =	vsub.f32 v37, v25;
	v25 =	vld [tilespmem:s15+$0xFFFFEC40]  }
0x152: {  	[tilespmem:v39+s26+$0x0] =	vst.idx.add.f32.msk vm3, v26;
	v26 =	vadd.s32 $0x4F00, v30  }
0x153: {  	[tilespmem:v40+s26+$0x0] =	vst.idx.add.f32.msk vm3, v24  }
0x154: {  	v24 =	vld [tilespmem:s15+$0x0]  }
0x155: {  	v53 =	vld.idx.msk [tilespmem:v41+s3+$0x0], $0xffff  }
0x156: {  	v34 =	vld.idx.msk [tilespmem:v52+s3+$0x0], $0xffff  }
0x157: {  	s20 =	simm.s32 $0x20;
	v60 =	vadd.s32 $0x2780, v32;
	v39 =	vld.idx.msk [tilespmem:v26+s3+$0x0], $0xffff  }
0x158: {  	s24 =	sand.u32 $0x1FE0, s20;
	v36 =	vsub.f32 v38, v36;
	v26 =	vld [tilespmem:s15+$0x13C0]  }
0x159: {  	v48 =	vld [tilespmem:s24+$0xEE00];
	v35 =	vsub.f32 v38, v51  }
0x15a: {  	[tilespmem:v32+s26+$0x0] =	vst.idx.add.f32.msk vm1, v36  }
0x15b: {  	[tilespmem:v33+s26+$0x0] =	vst.idx.add.f32.msk vm1, v35;
	v55 =	vadd.f32 v34, v53  }
0x15c: {  	v56 =	vadd.s32 $0x5000, v27;
	v63 =	vld.idx.msk [tilespmem:v60+s3+$0x0], $0xffff  }
0x15d: {  	v58 =	vadd.s32 $0x5000, v28;
	v29 =	vld [tilespmem:s15+$0xFFFFFFF0];
	v57 =	vadd.f32 v39, v55  }
0x15e: {  	v59 =	vadd.s32 $0x5000, v30;
	v43 =	vld.idx.msk [tilespmem:v25+s3+$0x0], $0xffff  }
0x15f: {  	v27 =	vadd.s32 $0x7800, v27;
	v44 =	vld.idx.msk [tilespmem:v24+s3+$0x0], $0xffff;
	v37 =	vsub.f32 v57, v53  }
0x160: {  	v54 =	vadd.s32 $0x2780, v31;
	v34 =	vsub.f32 v57, v34;
	v61 =	vld.idx.msk [tilespmem:v26+s3+$0x0], $0xffff  }
0x161: {  	v35 =	vsub.f32 v57, v39;
	[tilespmem:v56+s26+$0x0] =	vst.idx.add.f32.msk vm3, v37  }
0x162: {  	[tilespmem:v58+s26+$0x0] =	vst.idx.add.f32.msk vm3, v34  }
0x163: {  	s23 =	simm.s32 $0x30;
	v62 =	vadd.s32 $0x2780, v33;
	[tilespmem:v59+s26+$0x0] =	vst.idx.add.f32.msk vm3, v35  }
0x164: {  	v28 =	vadd.s32 $0x7800, v28;
	[tilespmem:v27+s26+$0x0] =	vst.idx.add.f32.msk vm3, v23;
	v27 =	vor.u32 s23, v0  }
0x165: {  	vm2 =	vmmov vm1;
	v40 =	vld.idx.msk [tilespmem:v54+s3+$0x0], $0xffff;
	vm1 =	vlt.u32 v27, v1;
	v27 =	vadd.f32 v44, v43  }
0x166: {  	v50 =	vld.idx.msk [tilespmem:v29+s3+$0x0], $0xffff  }
0x167: {  	v55 =	vld.idx.msk [tilespmem:v48+s3+$0x0], $0xffff;
	v27 =	vadd.f32 v61, v27  }
0x168: {  	v35 =	vld.idx.msk [tilespmem:v62+s3+$0x0], $0xffff  }
0x169: {  	v4 =	vadd.s32 $0x2780, v25;
	[tilespmem:v28+s26+$0x0] =	vst.idx.add.f32.msk vm3, v23;
	v28 =	vsub.f32 v27, v43  }
0x16a: {  	v6 =	vadd.s32 $0x2780, v24;
	v37 =	vld.idx.msk [tilespmem:v42+s3+$0x0], $0xffff;
	v5 =	vsub.f32 v27, v44  }
0x16b: {  	v59 =	vadd.s32 $0x7800, v30;
	v27 =	vsub.f32 v27, v61;
	[tilespmem:v25+s26+$0x0] =	vst.idx.add.f32.msk vm1, v28  }
0x16c: {  	v45 =	vadd.f32 v63, v40;
	v57 =	vadd.s32 $0x2780, v26;
	[tilespmem:v24+s26+$0x0] =	vst.idx.add.f32.msk vm1, v5  }
0x16d: {  	v7 =	vadd.s32 $0x2800, v31;
	v46 =	vadd.s32 $0x4F00, v31;
	[tilespmem:v26+s26+$0x0] =	vst.idx.add.f32.msk vm1, v27  }
0x16e: {  	v47 =	vadd.s32 $0x4F00, v32;
	v58 =	vadd.s32 $0x2800, v32;
	v45 =	vadd.f32 v35, v45;
	v49 =	vld.idx.msk [tilespmem:v4+s3+$0x0], $0xffff  }
0x16f: {  	v51 =	vor.u32 s20, v0;
	v38 =	vadd.s32 $0x2800, v42;
	v60 =	vadd.s32 $0x2800, v33;
	v54 =	vld.idx.msk [tilespmem:v6+s3+$0x0], $0xffff  }
0x170: {  	v41 =	vadd.s32 $0x4F00, v42;
	v36 =	vadd.s32 $0x7800, v29;
	[tilespmem:v59+s26+$0x0] =	vst.idx.add.f32.msk vm3, v23;
	v40 =	vsub.f32 v45, v40  }
0x171: {  	v53 =	vadd.s32 $0x4F00, v33;
	v62 =	vadd.f32 v50, v37;
	v61 =	vsub.f32 v45, v63;
	v39 =	vld.idx.msk [tilespmem:v57+s3+$0x0], $0xffff  }
0x172: {  	v34 =	vadd.s32 $0x5000, v33;
	v30 =	vadd.s32 $0x7800, v31;
	v35 =	vsub.f32 v45, v35;
	[tilespmem:v7+s26+$0x0] =	vst.idx.add.f32.msk vm2, v40  }
0x173: {  	vm3 =	vlt.u32 v51, v1;
	v56 =	vadd.f32 v55, v62;
	v59 =	vadd.s32 $0x2800, v26;
	[tilespmem:v58+s26+$0x0] =	vst.idx.add.f32.msk vm2, v61  }
0x174: {  	v44 =	vadd.s32 $0x2780, v42;
	v43 =	vadd.s32 $0x4F00, v29;
	[tilespmem:v60+s26+$0x0] =	vst.idx.add.f32.msk vm2, v35;
	v63 =	vadd.f32 v54, v49  }
0x175: {  	v45 =	vadd.s32 $0x2780, v29;
	v55 =	vsub.f32 v56, v55;
	v57 =	vadd.s32 $0x2800, v25;
	v51 =	vld.idx.msk [tilespmem:v46+s3+$0x0], $0xffff  }
0x176: {  	v28 =	vadd.s32 $0x5000, v31;
	v58 =	vadd.s32 $0x2800, v24;
	v52 =	vld.idx.msk [tilespmem:v47+s3+$0x0], $0xffff;
	v4 =	vadd.f32 v39, v63  }
0x177: {  	v31 =	vadd.s32 $0x7800, v32;
	v40 =	vadd.s32 $0x2800, v29;
	v5 =	vsub.f32 v56, v37  }
0x178: {  	v37 =	vadd.s32 $0x7800, v42;
	v60 =	vadd.s32 $0x4F00, v25;
	v53 =	vld.idx.msk [tilespmem:v53+s3+$0x0], $0xffff;
	v6 =	vsub.f32 v4, v49  }
0x179: {  	v27 =	vadd.s32 $0x5000, v32;
	v61 =	vadd.s32 $0x4F00, v24;
	[tilespmem:v42+s26+$0x0] =	vst.idx.add.f32.msk vm3, v5;
	v54 =	vsub.f32 v4, v54  }
0x17a: {  	v32 =	vadd.s32 $0x7800, v33;
	v33 =	vadd.s32 $0x5000, v42;
	v7 =	vsub.f32 v4, v39;
	[tilespmem:v57+s26+$0x0] =	vst.idx.add.f32.msk vm1, v6  }
0x17b: {  	v35 =	vadd.s32 $0x5000, v29;
	v62 =	vadd.f32 v52, v51;
	[tilespmem:v58+s26+$0x0] =	vst.idx.add.f32.msk vm1, v54;
	v58 =	vadd.s32 $0x4F00, v26  }
0x17c: {  	v42 =	vadd.s32 $0x5000, v48;
	vm2 =	vmmov vm2;
	vm3 =	vmmov vm3;
	[tilespmem:v59+s26+$0x0] =	vst.idx.add.f32.msk vm1, v7  }
0x17d: {  	v47 =	vadd.s32 $0x2800, v48;
	v54 =	vsub.f32 v56, v50;
	v50 =	vadd.f32 v53, v62;
	v56 =	vld.idx.msk [tilespmem:v60+s3+$0x0], $0xffff  }
0x17e: {  	s29 =	simm.s32 $0xDA90;
	s24 =	simm.s32 $0x2;
	v46 =	vadd.s32 $0x4F00, v48;
	v49 =	vadd.s32 $0x2780, v48;
	v39 =	vadd.s32 $0x7800, v48;
	v57 =	vld.idx.msk [tilespmem:v61+s3+$0x0], $0xffff  }
.LBB2_10:
0x17f: {  	v59 =	vld [tilespmem:s29+$0xFFFFEC40];
	v51 =	vsub.f32 v50, v51;
	v52 =	vsub.f32 v50, v52  }
0x180: {  	v53 =	vsub.f32 v50, v53;
	v58 =	vld.idx.msk [tilespmem:v58+s3+$0x0], $0xffff  }
0x181: {  	v60 =	vld [tilespmem:s29+$0x0]  }
0x182: {  	v50 =	vld [tilespmem:s29+$0xFFFFEC30]  }
0x183: {  	v61 =	vld [tilespmem:s29+$0xFFFFFFF0]  }
0x184: {  	[tilespmem:v29+s26+$0x0] =	vst.idx.add.f32.msk vm3, v54;
	v29 =	vadd.f32 v57, v56  }
0x185: {  	[tilespmem:v48+s26+$0x0] =	vst.idx.add.f32.msk vm3, v55;
	v48 =	vadd.s32 $0x5000, v25  }
0x186: {  	v62 =	vadd.s32 $0x5000, v24;
	v54 =	vld.idx.msk [tilespmem:v44+s3+$0x0], $0xffff;
	v55 =	vadd.f32 v58, v29  }
0x187: {  	v3 =	vadd.s32 $0x5000, v26;
	v44 =	vadd.s32 $0x2780, v50;
	v63 =	vadd.s32 $0x2800, v50;
	v2 =	vld [tilespmem:s29+$0x13C0]  }
0x188: {  	v6 =	vadd.s32 $0x7800, v25;
	v25 =	vmovc v59;
	v4 =	vadd.s32 $0x2780, v61;
	v5 =	vld.idx.msk [tilespmem:v59+s3+$0x0], $0xffff;
	v56 =	vsub.f32 v55, v56;
	v29 =	vmovc v61  }
0x189: {  	v7 =	vadd.s32 $0x7800, v24;
	v24 =	vmovc v60;
	v57 =	vsub.f32 v55, v57;
	v59 =	vadd.s32 $0x2800, v29;
	v61 =	vld.idx.msk [tilespmem:v60+s3+$0x0], $0xffff  }
0x18a: {  	v60 =	vadd.s32 $0x4F00, v50;
	[tilespmem:v48+s26+$0x0] =	vst.idx.add.f32.msk vm1, v56;
	v48 =	vsub.f32 v55, v58;
	v55 =	vadd.s32 $0x7800, v26  }
0x18b: {  	v8 =	vadd.s32 $0x5000, v29;
	v56 =	vadd.s32 $0x4F00, v29;
	v58 =	vadd.s32 $0x5000, v50;
	[tilespmem:v62+s26+$0x0] =	vst.idx.add.f32.msk vm1, v57  }
0x18c: {  	v57 =	vadd.s32 $0x7800, v50;
	v62 =	vadd.s32 $0x7800, v29;
	[tilespmem:v3+s26+$0x0] =	vst.idx.add.f32.msk vm1, v48;
	v26 =	vmov v2  }
0x18d: {  	[tilespmem:v6+s26+$0x0] =	vst.idx.add.f32.msk vm1, v23  }
0x18e: {  	[tilespmem:v7+s26+$0x0] =	vst.idx.add.f32.msk vm1, v23  }
0x18f: {  	[tilespmem:v55+s26+$0x0] =	vst.idx.add.f32.msk vm1, v23  }
0x190: {  	v2 =	vld.idx.msk [tilespmem:v2+s3+$0x0], $0xffff  }
0x191: {  	s24 =	sadd.s32 $0x2, s24;
	v3 =	vld.idx.msk [tilespmem:v50+s3+$0x0], $0xffff  }
0x192: {  	s23 =	sadd.s32 $0x20, s23;
	p0 =	slt.u32 s24, $0x13A;
	v6 =	vld.idx.msk [tilespmem:v29+s3+$0x0], $0xffff  }
0x193: {  	s4 =	sadd.s32 $0xFFFFFFF0, s23;
	v7 =	vor.u32 s23, v0;
	v55 =	vld.idx.msk [tilespmem:v45+s3+$0x0], $0xffff;
	v45 =	vmov v4  }
0x194: {  	vm1 =	vlt.u32 v7, v1;
	v7 =	vadd.f32 v61, v5;
	v4 =	vor.u32 s4, v0;
	s4 =	sand.u32 $0x1FE0, s4;
	v9 =	vld.idx.msk [tilespmem:v49+s3+$0x0], $0xffff  }
0x195: {  	vm4 =	vlt.u32 v4, v1;
	v48 =	vld [tilespmem:s4+$0xEE00]  }
0x196: {  	v4 =	vadd.f32 v2, v7;
	[tilespmem:v28+s26+$0x0] =	vst.idx.add.f32.msk vm2, v51;
	v28 =	vmov v33;
	v33 =	vmov v58  }
0x197: {  	[tilespmem:v27+s26+$0x0] =	vst.idx.add.f32.msk vm2, v52;
	v27 =	vmov v35;
	v35 =	vmov v8  }
0x198: {  	v7 =	vadd.f32 v6, v3;
	v5 =	vsub.f32 v4, v5;
	v8 =	vadd.s32 $0x2780, v25;
	[tilespmem:v34+s26+$0x0] =	vst.idx.add.f32.msk vm2, v53  }
0x199: {  	v51 =	vadd.s32 $0x2780, v24;
	v58 =	vsub.f32 v4, v61;
	v52 =	vadd.f32 v55, v54;
	[tilespmem:v30+s26+$0x0] =	vst.idx.add.f32.msk vm2, v23  }
0x19a: {  	v2 =	vsub.f32 v4, v2;
	v30 =	vmovc v37;
	v49 =	vadd.s32 $0x2780, v48;
	v53 =	vadd.s32 $0x2800, v48;
	[tilespmem:v25+s26+$0x0] =	vst.idx.add.f32.msk vm1, v5  }
0x19b: {  	v37 =	vmovc v57;
	v4 =	vadd.s32 $0x4F00, v48;
	v5 =	vadd.s32 $0x2780, v26;
	v52 =	vadd.f32 v9, v52;
	[tilespmem:v24+s26+$0x0] =	vst.idx.add.f32.msk vm1, v58  }
0x19c: {  	v34 =	vmov v42;
	v57 =	vadd.s32 $0x7800, v48;
	v42 =	vadd.s32 $0x5000, v48;
	[tilespmem:v26+s26+$0x0] =	vst.idx.add.f32.msk vm1, v2  }
0x19d: {  	v2 =	vld.idx.msk [tilespmem:v8+s3+$0x0], $0xffff;
	v8 =	vsub.f32 v52, v54;
	v54 =	vsub.f32 v52, v55  }
0x19e: {  	v9 =	vsub.f32 v52, v9;
	v58 =	vld.idx.msk [tilespmem:v51+s3+$0x0], $0xffff  }
0x19f: {  	v55 =	vld.idx.msk [tilespmem:v48+s3+$0x0], $0xffff  }
0x1a0: {  	v5 =	vld.idx.msk [tilespmem:v5+s3+$0x0], $0xffff  }
0x1a1: {  	[tilespmem:v38+s26+$0x0] =	vst.idx.add.f32.msk vm3, v8;
	v38 =	vmov v63  }
0x1a2: {  	[tilespmem:v40+s26+$0x0] =	vst.idx.add.f32.msk vm3, v54;
	v40 =	vmov v59  }
0x1a3: {  	[tilespmem:v47+s26+$0x0] =	vst.idx.add.f32.msk vm3, v9;
	v47 =	vmov v53  }
0x1a4: {  	v8 =	vadd.f32 v58, v2;
	v51 =	vld.idx.msk [tilespmem:v41+s3+$0x0], $0xffff;
	v41 =	vmov v60  }
0x1a5: {  	v9 =	vadd.s32 $0x2800, v25;
	v7 =	vadd.f32 v55, v7;
	v52 =	vld.idx.msk [tilespmem:v43+s3+$0x0], $0xffff;
	v43 =	vmov v56  }
0x1a6: {  	v8 =	vadd.f32 v5, v8;
	v56 =	vadd.s32 $0x2800, v24;
	v53 =	vld.idx.msk [tilespmem:v46+s3+$0x0], $0xffff;
	v46 =	vmov v4  }
0x1a7: {  	v3 =	vsub.f32 v7, v3;
	v54 =	vsub.f32 v7, v6;
	v4 =	vadd.s32 $0x2800, v26;
	[tilespmem:v31+s26+$0x0] =	vst.idx.add.f32.msk vm2, v23  }
0x1a8: {  	v55 =	vsub.f32 v7, v55;
	v6 =	vadd.s32 $0x4F00, v25;
	v2 =	vsub.f32 v8, v2;
	[tilespmem:v32+s26+$0x0] =	vst.idx.add.f32.msk vm2, v23  }
0x1a9: {  	v7 =	vadd.s32 $0x4F00, v24;
	v31 =	vmovc v36;
	v36 =	vmov v62;
	[tilespmem:v50+s26+$0x0] =	vst.idx.add.f32.msk vm4, v3;
	v3 =	vsub.f32 v8, v58  }
.Ltmp4:
0x1aa: {  	v32 =	vmovc v39;
	v39 =	vmov v57;
	vm2 =	vmmov vm3;
	[tilespmem:v9+s26+$0x0] =	vst.idx.add.f32.msk vm1, v2;
	v2 =	vsub.f32 v8, v5;
	(pc) =	sbr.rel @p0 .LBB2_10-.Ltmp4, $4  }
0x1ab: {  	vm3 =	vmmov vm4;
	v58 =	vadd.s32 $0x4F00, v26;
	[tilespmem:v56+s26+$0x0] =	vst.idx.add.f32.msk vm1, v3;
	v3 =	vadd.f32 v52, v51  }
0x1ac: {  	[tilespmem:v4+s26+$0x0] =	vst.idx.add.f32.msk vm1, v2  }
0x1ad: {  	v56 =	vld.idx.msk [tilespmem:v6+s3+$0x0], $0xffff;
	v50 =	vadd.f32 v53, v3  }
0x1ae: {  	s29 =	sadd.s32 $0x20, s29;
	v57 =	vld.idx.msk [tilespmem:v7+s3+$0x0], $0xffff  }
0x1af: {  	_ =	sdelay $0x3  }
0x1b0: {  	v2 =	vld.idx.msk [tilespmem:v58+s3+$0x0], $0xffff  }
0x1b1: {  	[tilespmem:v29+s26+$0x0] =	vst.idx.add.f32.msk vm3, v54  }
0x1b2: {  	[tilespmem:v48+s26+$0x0] =	vst.idx.add.f32.msk vm3, v55  }
0x1b3: {  	v3 =	vld.idx.msk [tilespmem:v44+s3+$0x0], $0xffff  }
0x1b4: {  	v4 =	vld.idx.msk [tilespmem:v45+s3+$0x0], $0xffff;
	_ =	sdelay $0x1  }
0x1b5: {  	v6 =	vld.idx.msk [tilespmem:v49+s3+$0x0], $0xffff;
	v5 =	vadd.f32 v57, v56  }
0x1b6: {  	v7 =	vadd.s32 $0x5000, v25  }
0x1b7: {  	v8 =	vadd.s32 $0x5000, v24;
	v5 =	vadd.f32 v2, v5  }
0x1b8: {  	v9 =	vadd.s32 $0x5000, v26;
	v29 =	vadd.f32 v4, v3  }
0x1b9: {  	v54 =	vsub.f32 v5, v56  }
0x1ba: {  	v55 =	vsub.f32 v5, v57;
	v29 =	vadd.f32 v6, v29  }
0x1bb: {  	v2 =	vsub.f32 v5, v2;
	[tilespmem:v7+s26+$0x0] =	vst.idx.add.f32.msk vm1, v54  }
0x1bc: {  	[tilespmem:v8+s26+$0x0] =	vst.idx.add.f32.msk vm1, v55;
	v3 =	vsub.f32 v29, v3  }
0x1bd: {  	[tilespmem:v9+s26+$0x0] =	vst.idx.add.f32.msk vm1, v2;
	v2 =	vsub.f32 v29, v4  }
0x1be: {  	v57 =	vsub.f32 v29, v6;
	[tilespmem:v38+s26+$0x0] =	vst.idx.add.f32.msk vm3, v3  }
0x1bf: {  	[tilespmem:v40+s26+$0x0] =	vst.idx.add.f32.msk vm3, v2  }
0x1c0: {  	v56 =	vadd.s32 $0x7800, v25;
	[tilespmem:v47+s26+$0x0] =	vst.idx.add.f32.msk vm3, v57  }
0x1c1: {  	v60 =	vsub.f32 v50, v51;
	v2 =	vadd.s32 $0x7800, v24;
	v5 =	vld.idx.msk [tilespmem:v41+s3+$0x0], $0xffff  }
0x1c2: {  	v3 =	vadd.s32 $0x7800, v26;
	v58 =	vld.idx.msk [tilespmem:v43+s3+$0x0], $0xffff  }
0x1c3: {  	[tilespmem:v28+s26+$0x0] =	vst.idx.add.f32.msk vm2, v60  }
0x1c4: {  	v59 =	vld.idx.msk [tilespmem:v46+s3+$0x0], $0xffff  }
0x1c5: {  	[tilespmem:v56+s26+$0x0] =	vst.idx.add.f32.msk vm1, v23  }
0x1c6: {  	[tilespmem:v2+s26+$0x0] =	vst.idx.add.f32.msk vm1, v23;
	v2 =	vsub.f32 v50, v52  }
0x1c7: {  	[tilespmem:v3+s26+$0x0] =	vst.idx.add.f32.msk vm1, v23;
	v3 =	vsub.f32 v50, v53;
	v61 =	vadd.f32 v58, v5  }
0x1c8: {  	[tilespmem:v27+s26+$0x0] =	vst.idx.add.f32.msk vm2, v2  }
0x1c9: {  	[tilespmem:v34+s26+$0x0] =	vst.idx.add.f32.msk vm2, v3;
	v2 =	vadd.f32 v59, v61  }
0x1ca: {  	[tilespmem:v30+s26+$0x0] =	vst.idx.add.f32.msk vm2, v23  }
0x1cb: {  	[tilespmem:v31+s26+$0x0] =	vst.idx.add.f32.msk vm2, v23;
	v3 =	vsub.f32 v2, v5  }
0x1cc: {  	[tilespmem:v32+s26+$0x0] =	vst.idx.add.f32.msk vm2, v23;
	v62 =	vsub.f32 v2, v58  }
0x1cd: {  	v2 =	vsub.f32 v2, v59;
	[tilespmem:v33+s26+$0x0] =	vst.idx.add.f32.msk vm3, v3  }
0x1ce: {  	[tilespmem:v35+s26+$0x0] =	vst.idx.add.f32.msk vm3, v62  }
0x1cf: {  	[tilespmem:v42+s26+$0x0] =	vst.idx.add.f32.msk vm3, v2  }
0x1d0: {  	[tilespmem:v37+s26+$0x0] =	vst.idx.add.f32.msk vm3, v23  }
0x1d1: {  	[tilespmem:v36+s26+$0x0] =	vst.idx.add.f32.msk vm3, v23  }
0x1d2: {  	[tilespmem:v39+s26+$0x0] =	vst.idx.add.f32.msk vm3, v23  }
0x1d3: {  	[bflag:$0x0] =	sbarrier.arrive $0xFFFF  }
0x1d4: {  	v2 =	vld [tilespmem:$0x1FF80];
	_ =	sdelay $0x7  }
0x1d5: {  	[spmem:s2] =	stream.indirect_vreg.scatter.add.f32 [tilespmem:s26], [sflag:$0x5], $0x80, v2, vm0, $0xb8;
	v2 =	vld [tilespmem:$0x1FF90]  }
0x1d6: {  	_ =	sdelay $0x5  }
0x1d7: {  	s4 =	simm.s32 $0x10A00  }
0x1d8: {  	[spmem:s2] =	stream.indirect_vreg.scatter.add.f32 [tilespmem:s4], [sflag:$0x5], $0x80, v2, vm0, $0xb8;
	v2 =	vld [tilespmem:$0x1FFA0]  }
0x1d9: {  	_ =	sdelay $0x5  }
0x1da: {  	s12 =	simm.s32 $0x11200  }
0x1db: {  	[spmem:s2] =	stream.indirect_vreg.scatter.add.f32 [tilespmem:s12], [sflag:$0x5], $0x80, v2, vm0, $0xb8;
	v2 =	vld [tilespmem:$0x1FFB0]  }
0x1dc: {  	_ =	sdelay $0x5  }
0x1dd: {  	s13 =	simm.s32 $0x11A00  }
0x1de: {  	[spmem:s2] =	stream.indirect_vreg.scatter.add.f32 [tilespmem:s13], [sflag:$0x5], $0x80, v2, vm0, $0xb8;
	v2 =	vld [tilespmem:$0x1FFC0]  }
0x1df: {  	_ =	sdelay $0x5  }
0x1e0: {  	s14 =	simm.s32 $0x12200  }
0x1e1: {  	[spmem:s2] =	stream.indirect_vreg.scatter.add.f32 [tilespmem:s14], [sflag:$0x5], $0x80, v2, vm0, $0xb8;
	v2 =	vld [tilespmem:$0x1FFD0]  }
0x1e2: {  	_ =	sdelay $0x5  }
0x1e3: {  	s15 =	simm.s32 $0x12A00  }
0x1e4: {  	[spmem:s2] =	stream.indirect_vreg.scatter.add.f32 [tilespmem:s15], [sflag:$0x5], $0x80, v2, vm0, $0xb8;
	v2 =	vld [tilespmem:$0x1FFE0]  }
0x1e5: {  	_ =	sdelay $0x5  }
0x1e6: {  	s20 =	simm.s32 $0x13200  }
0x1e7: {  	[spmem:s2] =	stream.indirect_vreg.scatter.add.f32 [tilespmem:s20], [sflag:$0x5], $0x80, v2, vm0, $0xb8;
	v2 =	vld [tilespmem:$0x1FFF0]  }
0x1e8: {  	_ =	sdelay $0x5  }
0x1e9: {  	s23 =	simm.s32 $0x13A00  }
0x1ea: {  	[spmem:s2] =	stream.indirect_vreg.scatter.add.f32 [tilespmem:s23], [sflag:$0x5], $0x80, v2, vm0, $0xb8;
	[tilespmem:$0x1F280] =	vst v63  }
0x1eb: {  	s24 =	simm.s32 $0x14200  }
0x1ec: {  	[spmem:s2] =	stream.indirect_vreg.scatter.add.f32 [tilespmem:s24], [sflag:$0x5], $0x80, v10, vm0, $0xb8;
	[tilespmem:$0x1F280] =	vst v63  }
0x1ed: {  	s5 =	simm.s32 $0x14A00  }
0x1ee: {  	[spmem:s2] =	stream.indirect_vreg.scatter.add.f32 [tilespmem:s5], [sflag:$0x5], $0x80, v11, vm0, $0xb8;
	[tilespmem:$0x1F280] =	vst v63  }
0x1ef: {  	s6 =	simm.s32 $0x15200  }
0x1f0: {  	[spmem:s2] =	stream.indirect_vreg.scatter.add.f32 [tilespmem:s6], [sflag:$0x5], $0x80, v12, vm0, $0xb8;
	[tilespmem:$0x1F280] =	vst v63  }
0x1f1: {  	s7 =	simm.s32 $0x15A00  }
0x1f2: {  	[spmem:s2] =	stream.indirect_vreg.scatter.add.f32 [tilespmem:s7], [sflag:$0x5], $0x80, v13, vm0, $0xb8;
	[tilespmem:$0x1F280] =	vst v63  }
0x1f3: {  	s8 =	simm.s32 $0x16200  }
0x1f4: {  	[spmem:s2] =	stream.indirect_vreg.scatter.add.f32 [tilespmem:s8], [sflag:$0x5], $0x80, v14, vm0, $0xb8;
	[tilespmem:$0x1F280] =	vst v63  }
0x1f5: {  	s9 =	simm.s32 $0x16A00  }
0x1f6: {  	[spmem:s2] =	stream.indirect_vreg.scatter.add.f32 [tilespmem:s9], [sflag:$0x5], $0x80, v15, vm0, $0xb8;
	[tilespmem:$0x1F280] =	vst v63  }
0x1f7: {  	s10 =	simm.s32 $0x17200  }
0x1f8: {  	[spmem:s2] =	stream.indirect_vreg.scatter.add.f32 [tilespmem:s10], [sflag:$0x5], $0x80, v16, vm0, $0xb8;
	[tilespmem:$0x1F280] =	vst v63  }
0x1f9: {  	s11 =	simm.s32 $0x17A00  }
0x1fa: {  	[spmem:s2] =	stream.indirect_vreg.scatter.add.f32 [tilespmem:s11], [sflag:$0x5], $0x80, v17, vm0, $0xb8;
	[tilespmem:$0x1F280] =	vst v63  }
0x1fb: {  	s12 =	simm.s32 $0x18200  }
0x1fc: {  	[spmem:s2] =	stream.indirect_vreg.scatter.add.f32 [tilespmem:s12], [sflag:$0x5], $0x80, v18, vm0, $0xb8;
	[tilespmem:$0x1F280] =	vst v63  }
0x1fd: {  	s13 =	simm.s32 $0x18A00  }
0x1fe: {  	[spmem:s2] =	stream.indirect_vreg.scatter.add.f32 [tilespmem:s13], [sflag:$0x5], $0x80, v19, vm0, $0xb8;
	[tilespmem:$0x1F280] =	vst v63  }
0x1ff: {  	s14 =	simm.s32 $0x19200  }
0x200: {  	[spmem:s2] =	stream.indirect_vreg.scatter.add.f32 [tilespmem:s14], [sflag:$0x5], $0x80, v20, vm0, $0xb8;
	[tilespmem:$0x1F280] =	vst v63  }
0x201: {  	s15 =	simm.s32 $0x19A00  }
0x202: {  	[spmem:s2] =	stream.indirect_vreg.scatter.add.f32 [tilespmem:s15], [sflag:$0x5], $0x80, v21, vm0, $0xb8;
	[tilespmem:$0x1F280] =	vst v63  }
0x203: {  	_ =	swait.ge [sflag:s21], $0x800  }
0x204: {  	[sflag:s21] =	ssyncset.done $0x0  }
0x205: {  	[sflag:s21] =	ssyncadd.s32 $0xFFFFF800  }
0x206: {  	_ =	swait.ge [sflag:s21], $0x800  }
0x207: {  	[sflag:s21] =	ssyncset.done $0x0  }
0x208: {  	[sflag:s21] =	ssyncadd.s32 $0xFFFFF800  }
0x209: {  	_ =	swait.ge [sflag:s21], $0x800  }
0x20a: {  	[sflag:s21] =	ssyncset.done $0x0  }
0x20b: {  	[sflag:s21] =	ssyncadd.s32 $0xFFFFF800  }
0x20c: {  	_ =	swait.ge [sflag:s21], $0x800  }
0x20d: {  	[sflag:s21] =	ssyncset.done $0x0  }
0x20e: {  	[sflag:s21] =	ssyncadd.s32 $0xFFFFF800  }
0x20f: {  	_ =	swait.ge [sflag:s21], $0x800  }
0x210: {  	[sflag:s21] =	ssyncset.done $0x0  }
0x211: {  	[sflag:s21] =	ssyncadd.s32 $0xFFFFF800  }
0x212: {  	_ =	swait.ge [sflag:s21], $0x800  }
0x213: {  	[sflag:s21] =	ssyncset.done $0x0  }
0x214: {  	[sflag:s21] =	ssyncadd.s32 $0xFFFFF800  }
0x215: {  	_ =	swait.ge [sflag:s21], $0x800  }
0x216: {  	[sflag:s21] =	ssyncset.done $0x0  }
0x217: {  	[sflag:s21] =	ssyncadd.s32 $0xFFFFF800  }
0x218: {  	_ =	swait.ge [sflag:s21], $0x800  }
0x219: {  	[sflag:s21] =	ssyncset.done $0x0  }
0x21a: {  	[sflag:s21] =	ssyncadd.s32 $0xFFFFF800  }
0x21b: {  	_ =	swait.ge [sflag:s21], $0x800  }
0x21c: {  	[sflag:s21] =	ssyncset.done $0x0  }
0x21d: {  	[sflag:s21] =	ssyncadd.s32 $0xFFFFF800  }
0x21e: {  	_ =	swait.ge [sflag:s21], $0x800  }
0x21f: {  	[sflag:s21] =	ssyncset.done $0x0  }
0x220: {  	[sflag:s21] =	ssyncadd.s32 $0xFFFFF800  }
0x221: {  	_ =	swait.ge [sflag:s21], $0x800  }
0x222: {  	[sflag:s21] =	ssyncset.done $0x0  }
0x223: {  	[sflag:s21] =	ssyncadd.s32 $0xFFFFF800  }
0x224: {  	_ =	swait.ge [sflag:s21], $0x800  }
0x225: {  	[sflag:s21] =	ssyncset.done $0x0  }
0x226: {  	[sflag:s21] =	ssyncadd.s32 $0xFFFFF800  }
0x227: {  	_ =	swait.ge [sflag:s21], $0x800  }
0x228: {  	[sflag:s21] =	ssyncset.done $0x0  }
0x229: {  	[sflag:s21] =	ssyncadd.s32 $0xFFFFF800  }
0x22a: {  	_ =	swait.ge [sflag:s21], $0x800  }
0x22b: {  	[sflag:s21] =	ssyncset.done $0x0  }
0x22c: {  	[sflag:s21] =	ssyncadd.s32 $0xFFFFF800  }
0x22d: {  	_ =	swait.ge [sflag:s21], $0x800  }
0x22e: {  	[sflag:s21] =	ssyncset.done $0x0  }
0x22f: {  	[sflag:s21] =	ssyncadd.s32 $0xFFFFF800  }
0x230: {  	_ =	swait.ge [sflag:s21], $0x800  }
0x231: {  	[sflag:s21] =	ssyncset.done $0x0  }
0x232: {  	[sflag:s21] =	ssyncadd.s32 $0xFFFFF800  }
0x233: {  	_ =	swait.ge [sflag:s21], $0x800  }
0x234: {  	[sflag:s21] =	ssyncset.done $0x0  }
0x235: {  	[sflag:s21] =	ssyncadd.s32 $0xFFFFF800  }
0x236: {  	_ =	swait.ge [sflag:s21], $0x800  }
0x237: {  	[sflag:s21] =	ssyncset.done $0x0  }
0x238: {  	[sflag:s21] =	ssyncadd.s32 $0xFFFFF800  }
0x239: {  	_ =	swait.ge [sflag:s21], $0x800  }
0x23a: {  	[sflag:s21] =	ssyncset.done $0x0  }
0x23b: {  	[sflag:s21] =	ssyncadd.s32 $0xFFFFF800  }
0x23c: {  	_ =	swait.ge [sflag:s21], $0x800  }
0x23d: {  	[sflag:s21] =	ssyncset.done $0x0  }
0x23e: {  	[sflag:s21] =	ssyncadd.s32 $0xFFFFF800  }
0x23f: {  	[bflag:$0x0] =	sbarrier.arrive $0xFFFF  }
0x240: {  	s5 =	simm.s32 $0x1A200;
	s20 =	rddreg [dreg:$0xb]  }
0x241: {  	[tilespmem:s5], [sflag:$0x5] =	stream.linear.gather [spmem:s20], $0xA00, $0x38;
	[tilespmem:$0x1F280] =	vst v63  }
0x242: {  	s24 =	simm.s32 $0x1AC00;
	s23 =	rddreg [dreg:$0xc]  }
0x243: {  	[tilespmem:s24], [sflag:$0x5] =	stream.linear.gather [spmem:s23], $0xA00, $0x38;
	[tilespmem:$0x1F280] =	vst v63  }
0x244: {  	s6 =	simm.s32 $0x1B600;
	s5 =	rddreg [dreg:$0xd]  }
0x245: {  	[tilespmem:s6], [sflag:$0x5] =	stream.linear.gather [spmem:s5], $0xA00, $0x38;
	[tilespmem:$0x1F280] =	vst v63  }
0x246: {  	s8 =	simm.s32 $0x1C000;
	s7 =	rddreg [dreg:$0xe]  }
0x247: {  	[tilespmem:s8], [sflag:$0x5] =	stream.linear.gather [spmem:s7], $0xA00, $0x38;
	[tilespmem:$0x1F280] =	vst v63  }
0x248: {  	_ =	swait.ge [sflag:s21], $0xA00  }
0x249: {  	[sflag:s21] =	ssyncset.done $0x0  }
0x24a: {  	[sflag:s21] =	ssyncadd.s32 $0xFFFFF600  }
0x24b: {  	_ =	swait.ge [sflag:s21], $0xA00  }
0x24c: {  	[sflag:s21] =	ssyncset.done $0x0  }
0x24d: {  	[sflag:s21] =	ssyncadd.s32 $0xFFFFF600  }
0x24e: {  	_ =	swait.ge [sflag:s21], $0xA00  }
0x24f: {  	s9 =	simm.s32 $0x0;
	[sflag:s21] =	ssyncset.done $0x0  }
0x250: {  	s4 =	sand.u32 $0xF80, s9;
	[sflag:s21] =	ssyncadd.s32 $0xFFFFF600  }
0x251: {  	s10 =	simm.s32 $0x0;
	s6 =	simm.s32 $0x10;
	_ =	swait.ge [sflag:s21], $0xA00  }
0x252: {  	s5 =	sand.u32 $0x60, s10;
	s7 =	sor.u32 $0x1C000, s4;
	[sflag:s21] =	ssyncset.done $0x0  }
0x253: {  	s8 =	sand.u32 $0x70, s6;
	s11 =	sor.u32 s5, s7;
	[sflag:s21] =	ssyncadd.s32 $0xFFFFF600  }
0x254: {  	s12 =	sor.u32 s8, s7;
	v2 =	vld [tilespmem:s11+$0x0]  }
0x255: {  	s9 =	sadd.s32 $0x1A200, s4;
	s13 =	sadd.s32 $0x1B600, s4;
	v3 =	vld [tilespmem:s12+$0x0]  }
0x256: {  	s15 =	sadd.s32 $0x1AC00, s4;
	s10 =	sor.u32 s5, s13;
	s14 =	sor.u32 s8, s13  }
0x257: {  	s6 =	simm.s32 $0x20;
	s20 =	sor.u32 s8, s9;
	s23 =	rddreg [dreg:$0x3];
	v24 =	vld [tilespmem:s14+$0x0]  }
0x258: {  	s13 =	simm.s32 $0x30;
	s11 =	simm.s32 $0x20;
	v28 =	vld [tilespmem:s20+$0x0];
	s20 =	sadd.s32 $0x0, s23  }
0x259: {  	v26 =	vld [tilespmem:s10+$0x0];
	s12 =	sor.u32 s8, s15;
	s4 =	sand.u32 $0xF80, s11;
	s10 =	sand.u32 $0x3F80, s20;
	v2 =	vmax.f32 v2, $1.000000000e+00  }
0x25a: {  	s29 =	sand.u32 $0x60, s6;
	v27 =	vld [tilespmem:s12+$0x0];
	s11 =	sor.u32 $0x1C000, s4;
	s10 =	sor.u32 s5, s10;
	(erf) = vrcp.f32 v2;
	v2 =	vmax.f32 v3, $1.000000000e+00  }
0x25b: {  	s24 =	sand.u32 $0x70, s13;
	s12 =	sor.u32 s29, s11;
	v30 =	vld [tilespmem:s10+$0x0];
	(erf) = vrcp.f32 v2  }
0x25c: {  	s14 =	sor.u32 s24, s11;
	v63 =	vld [tilespmem:s12+$0x0]  }
0x25d: {  	s9 =	sor.u32 s5, s9;
	s7 =	sor.u32 s5, s15;
	s15 =	sadd.s32 $0x2780, s20;
	v32 =	vld [tilespmem:s14+$0x0]  }
0x25e: {  	s13 =	sadd.s32 $0x4F00, s20;
	s11 =	sand.u32 $0xFF80, s15;
	v3 =	vld [tilespmem:s9+$0x0]  }
0x25f: {  	s12 =	sand.u32 $0xFF80, s13;
	s15 =	sor.u32 s8, s11;
	v2 =	vld [tilespmem:s7+$0x0]  }
0x260: {  	s23 =	sadd.s32 $0x10, s20;
	s13 =	sor.u32 s5, s12;
	v33 =	vld [tilespmem:s15+$0x0]  }
0x261: {  	s14 =	sand.u32 $0x3F80, s23;
	s5 =	sor.u32 s5, s11;
	v29 =	vld [tilespmem:s13+$0x0]  }
0x262: {  	s10 =	sadd.s32 $0x1B600, s4;
	v35 =	vld [tilespmem:s5+$0x0];
	s9 =	sor.u32 s8, s14;
	v4 =	vmax.f32 v63, $1.000000000e+00  }
0x263: {  	v25 =	vimm.f32 $0.0e+00;
	s11 =	rddreg [dreg:$0x3];
	s5 =	simm.s32 $0x2;
	s8 =	sor.u32 s8, s12;
	v34 =	vld [tilespmem:s9+$0x0];
	v36 =	vpop (erf);
	(erf) = vrcp.f32 v4  }
0x264: {  	vm1 =	vmmov vm3;
	s7 =	simm.s32 $0x40;
	s9 =	sor.u32 s24, s10;
	v31 =	vld [tilespmem:s8+$0x0];
	s8 =	simm.s32 $0x100;
	v38 =	vmul.f32 v36, v3;
	v39 =	vmul.f32 v2, v36;
	v37 =	vpop (erf)  }
.LBB2_12:
0x265: {  	s12 =	sadd.s32 $0x10, s7;
	s13 =	sadd.s32 $0x1A200, s4  }
0x266: {  	s14 =	sor.u32 s29, s10;
	v3 =	vld [tilespmem:s9+$0x0];
	s9 =	smov.u32 s24;
	s10 =	sand.u32 $0x60, s7  }
0x267: {  	v4 =	vmul.f32 v26, v36;
	v5 =	vmul.f32 v37, v28;
	s15 =	sadd.s32 $0x1AC00, s4;
	s6 =	sadd.s32 s6, s11;
	v26 =	vld [tilespmem:s14+$0x0];
	s4 =	sor.u32 s9, s13  }
0x268: {  	v8 =	vmul.f32 v27, v37;
	v9 =	vmul.f32 v24, v37;
	p1 =	slt.u32 s20, $0x2710;
	s24 =	sand.u32 $0x70, s12;
	s12 =	sor.u32 s9, s15;
	v28 =	vld [tilespmem:s4+$0x0]  }
0x269: {  	s5 =	sadd.s32 $0x2, s5;
	v2 =	vmax.f32 v32, $1.000000000e+00;
	s14 =	sshrl.u32 s8, $0x2;
	s15 =	sor.u32 s29, s15;
	v27 =	vld [tilespmem:s12+$0x0];
	v6 =	vsub.f32 v38, v30;
	v7 =	vsub.f32 v39, v35  }
0x26a: {  	s13 =	sor.u32 s29, s13;
	v4 =	vsub.f32 v4, v29;
	s4 =	sand.u32 $0xF80, s14;
	(erf) = vrcp.f32 v2;
	v61 =	vld [tilespmem:s15+$0x0];
	s15 =	sand.u32 $0x3F80, s6;
	v5 =	vsub.f32 v5, v34  }
0x26b: {  	p6 =	slt.u32 s23, $0x2710;
	v59 =	vld [tilespmem:s13+$0x0];
	s11 =	sor.u32 $0x1C000, s4;
	s13 =	sor.u32 s29, s15;
	v8 =	vsub.f32 v8, v33;
	v6 =	vand.u32 $0x7FFFFFFF, v6;
	v7 =	vand.u32 $0x7FFFFFFF, v7  }
0x26c: {  	p0 =	slt.u32 s5, $0x9E;
	s12 =	sadd.s32 $0x4F00, s6;
	v60 =	vsub.f32 v9, v31;
	s20 =	sor.u32 s10, s11;
	v30 =	vld [tilespmem:s13+$0x0];
	v2 =	vadd.f32 v7, v6  }
0x26d: {  	s12 =	sand.u32 $0xFF80, s12;
	v4 =	vand.u32 $0x7FFFFFFF, v4;
	s11 =	sor.u32 s24, s11;
	v24 =	vmovc v3;
	v3 =	vld [tilespmem:s20+$0x0];
	s20 =	sadd.s32 $0x2780, s6;
	v5 =	vand.u32 $0x7FFFFFFF, v5;
	v8 =	vand.u32 $0x7FFFFFFF, v8  }
0x26e: {  	s8 =	sadd.s32 $0x80, s8;
	v32 =	vld [tilespmem:s11+$0x0];
	s11 =	sand.u32 $0xFF80, s20;
	s20 =	sor.u32 s29, s12;
	v62 =	vadd.f32 v8, v5;
	v2 =	vadd.f32 v4, v2  }
.Ltmp5:
0x26f: {  	s14 =	sadd.s32 $0x10, s6;
	v63 =	vand.u32 $0x7FFFFFFF, v60;
	s12 =	sor.u32 s9, s12;
	v29 =	vld [tilespmem:s20+$0x0];
	(pc) =	sbr.rel @p0 .LBB2_12-.Ltmp5, $4  }
0x270: {  	s23 =	smov.u32 s14;
	s15 =	sor.u32 s29, s11;
	s20 =	sand.u32 $0x3F80, s14;
	v31 =	vld [tilespmem:s12+$0x0];
	v4 =	vadd.f32 v63, v62;
	v2 =	vpsel !p1, $0x0, v2  }
0x271: {  	s29 =	smov.u32 s10;
	s11 =	sor.u32 s9, s11;
	s10 =	sadd.s32 $0x1B600, s4;
	v36 =	vpop (erf);
	v35 =	vld [tilespmem:s15+$0x0];
	v2 =	vadd.f32 v2, v25  }
0x272: {  	s13 =	sor.u32 s9, s20;
	s20 =	smov.u32 s6;
	s6 =	smov.u32 s7;
	v33 =	vld [tilespmem:s11+$0x0];
	v38 =	vmul.f32 v36, v59;
	v3 =	vmax.f32 v3, $1.000000000e+00;
	v4 =	vpsel !p6, $0x0, v4  }
0x273: {  	s7 =	sadd.s32 $0x20, s7;
	s11 =	rddreg [dreg:$0x3];
	s9 =	sor.u32 s24, s10;
	v34 =	vld [tilespmem:s13+$0x0];
	v39 =	vmul.f32 v61, v36;
	(erf) = vrcp.f32 v3;
	v37 =	vpop (erf);
	v25 =	vadd.f32 v4, v2  }
0x274: {  	s5 =	sadd.s32 $0x1A200, s4;
	s7 =	sor.u32 s29, s10;
	v2 =	vld [tilespmem:s9+$0x0]  }
0x275: {  	v3 =	vmax.f32 v32, $1.000000000e+00;
	s8 =	sadd.s32 $0x1AC00, s4;
	v5 =	vld [tilespmem:s7+$0x0];
	s14 =	sor.u32 s24, s5  }
0x276: {  	v4 =	vmul.f32 v26, v36;
	s4 =	sadd.s32 s6, s11;
	(erf) = vrcp.f32 v3;
	s15 =	sor.u32 s24, s8;
	v3 =	vld [tilespmem:s14+$0x0]  }
0x277: {  	v7 =	vsub.f32 v38, v30;
	v52 =	vmul.f32 v27, v37;
	s5 =	sor.u32 s29, s5;
	s6 =	sadd.s32 $0x4F00, s4;
	v8 =	vsub.f32 v39, v35;
	v9 =	vld [tilespmem:s15+$0x0]  }
0x278: {  	v6 =	vmul.f32 v37, v28;
	v24 =	vmul.f32 v24, v37;
	s9 =	sor.u32 s29, s8;
	s11 =	sadd.s32 $0x2780, s4;
	v4 =	vsub.f32 v4, v29;
	v53 =	vld [tilespmem:s5+$0x0];
	s6 =	sand.u32 $0xFF80, s6  }
0x279: {  	v7 =	vand.u32 $0x7FFFFFFF, v7;
	v54 =	vld [tilespmem:s9+$0x0];
	s5 =	sand.u32 $0xFF80, s11;
	v26 =	vsub.f32 v52, v33;
	s13 =	sor.u32 s29, s6;
	v8 =	vand.u32 $0x7FFFFFFF, v8  }
0x27a: {  	s10 =	sand.u32 $0x3F80, s4;
	s12 =	sadd.s32 $0x10, s4;
	s14 =	sor.u32 s29, s5;
	v6 =	vsub.f32 v6, v34;
	v55 =	vld [tilespmem:s13+$0x0];
	v7 =	vadd.f32 v8, v7  }
0x27b: {  	s7 =	sor.u32 s29, s10;
	v24 =	vsub.f32 v24, v31;
	s15 =	sand.u32 $0x3F80, s12;
	v4 =	vand.u32 $0x7FFFFFFF, v4;
	v56 =	vld [tilespmem:s14+$0x0]  }
0x27c: {  	v8 =	vld [tilespmem:s7+$0x0];
	v26 =	vand.u32 $0x7FFFFFFF, v26;
	s7 =	sor.u32 s24, s15;
	v6 =	vand.u32 $0x7FFFFFFF, v6;
	v4 =	vadd.f32 v4, v7  }
0x27d: {  	p0 =	slt.u32 s20, $0x2710;
	s5 =	sor.u32 s24, s5;
	v57 =	vld [tilespmem:s7+$0x0];
	v6 =	vadd.f32 v26, v6  }
0x27e: {  	s20 =	sor.u32 s24, s6;
	v24 =	vand.u32 $0x7FFFFFFF, v24;
	v59 =	vld [tilespmem:s5+$0x0];
	v58 =	vpop (erf);
	v4 =	vpsel !p0, $0x0, v4  }
0x27f: {  	v62 =	vld [tilespmem:s20+$0x0];
	v6 =	vadd.f32 v24, v6;
	v60 =	vmul.f32 v58, v53;
	v61 =	vmul.f32 v54, v58;
	v63 =	vpop (erf)  }
0x280: {  	v5 =	vmul.f32 v5, v58;
	v4 =	vadd.f32 v4, v25;
	v3 =	vmul.f32 v63, v3  }
0x281: {  	v8 =	vsub.f32 v60, v8;
	v7 =	vsub.f32 v61, v56;
	v9 =	vmul.f32 v9, v63  }
0x282: {  	v5 =	vsub.f32 v5, v55;
	v2 =	vmul.f32 v2, v63;
	v3 =	vsub.f32 v3, v57  }
0x283: {  	v8 =	vand.u32 $0x7FFFFFFF, v8;
	v7 =	vand.u32 $0x7FFFFFFF, v7;
	v9 =	vsub.f32 v9, v59  }
0x284: {  	v2 =	vsub.f32 v2, v62;
	v7 =	vadd.f32 v7, v8  }
0x285: {  	p4 =	slt.u32 s23, $0x2710;
	v5 =	vand.u32 $0x7FFFFFFF, v5;
	v3 =	vand.u32 $0x7FFFFFFF, v3;
	v8 =	vand.u32 $0x7FFFFFFF, v9  }
0x286: {  	v6 =	vpsel !p4, $0x0, v6;
	v5 =	vadd.f32 v5, v7;
	v3 =	vadd.f32 v8, v3  }
0x287: {  	p5 =	slt.u32 s4, $0x2710;
	v4 =	vadd.f32 v6, v4;
	v2 =	vand.u32 $0x7FFFFFFF, v2  }
0x288: {  	v5 =	vpsel !p5, $0x0, v5;
	v2 =	vadd.f32 v2, v3  }
0x289: {  	p6 =	slt.u32 s12, $0x2710;
	v3 =	vadd.f32 v5, v4  }
0x28a: {  	v2 =	vpsel !p6, $0x0, v2  }
0x28b: {  	s22 =	sadd.s32 $0x1, s22;
	v2 =	vadd.f32 v2, v3  }
0x28c: {  	p0 =	sne.s32 s22, s19  }
.Ltmp6:
0x28d: {  	s29 =	simm.s32 $0x1CA00;
	s24 =	rddreg [dreg:$0xf];
	[tilespmem:$0x1CA00] =	vst v2;
	(pc) =	sbr.rel @p0 .LBB2_1-.Ltmp6, $4  }
0x28e: {  	[hbm4b:s24+s3] =	stream.linear.scatter [tilespmem:s29], [sflag:$0x6], $0x10, $0x38;
	[tilespmem:$0x1F280] =	vst v63  }
0x28f: {  	_ =	swait.ge [sflag:s28], $0x10  }
0x290: {  	[sflag:s28] =	ssyncset.done $0x0  }
0x291: {  	[sflag:s28] =	ssyncadd.s32 $0xFFFFFFF0  }
0x292: {  	_ =	sfence.sel $0x180000  }
0x293: {  	[bflag:$0x0] =	sbarrier.arrive $0xFFFF  }
0x294: {  	_ =	strace $0x90000047  }
0x295: {  	s0 =	stileid.u32;
	[bflag:$0x2] =	sbarrier.arrive $0xFFFF  }
0x296: {  	p0 =	sne.s32 s0, $0x0;
	s0 =	rddreg [dreg:$0x2]  }
0x297: {  	s0 =	sadd.s32 @!p0 $0x100000, s0  }
0x298: {  	[sflag:s0] =	ssyncadd.tile.s32 @!p0 $0x1;
	_ =	shalt  }
.Lfunc_end2:
_tile_overlayer_lowered:
.L_overlay_start_2:
0x299: {  	(tag) =	ssettag $0x2  }
0x29a: {  	s0 =	rddreg [dreg:$0x0];
	s2 =	stileid.u32  }
0x29b: {  	s1 =	rddreg [dreg:$0x1];
	p0 =	sne.s32 s2, $0x0  }
0x29c: {  	s3 =	rddreg [dreg:$0x2];
	[bflag:$0x3] =	sbarrier.arrive $0xFFFF;
	s2 =	simm.s32 @!p0 $0x1C06  }
0x29d: {  	[timem:s3], [sflag:s2] =	dma.local @!p0 [hbm:s0], s1  }
0x29e: {  	s0 =	simm.s32 @!p0 $0x6  }
0x29f: {  	_ =	swait.ge @!p0 [sflag:s0], s1  }
0x2a0: {  	s1 =	ssub.s32 @!p0 $0x0, s1;
	[sflag:s0] =	ssyncset.done @!p0 $0x0  }
0x2a1: {  	[sflag:s0] =	ssyncadd.s32 @!p0 s1  }
0x2a2: {  	[bflag:$0x3] =	sbarrier.arrive $0xFFFF  }
0x2a3: {  	_ =	shalt  }

</sc_bundles>
